<compile_context>
chip_gen: v7x
topology: tpu7x:2x2x1
jax: 0.10.2.dev20260603
libtpu: 0.0.44.dev20260713+nightly
codegen_flags: <defaults>
</compile_context>

<pallas_src>
import functools

import jax
import jax.numpy as jnp
import numpy as np
from jax import lax
from jax.experimental import pallas as pl
from jax.experimental.pallas import tpu as pltpu
from jax.experimental.pallas import tpu_sc as plsc

N_NODES = 10000
MUL = 32
CUTOFF = 0.08
NB = 3
RH = 200
NNORM = 20.0
D = MUL * 4
NW = MUL * 5
MAX_EDGES = N_NODES * 32

EB = 2000
RPT = 384

N_TILES = 32
EPT = MAX_EDGES // N_TILES
SPT = -(-N_NODES // N_TILES)

_PERM_X = np.array([m * 4 + c for c in range(4) for m in range(MUL)], dtype=np.int32)

_ISQ3 = float(1.0 / np.sqrt(3.0))
_ISQ2 = float(1.0 / np.sqrt(2.0))
_SHC = float(1.0 / np.sqrt(NNORM))
_SQ3 = float(np.sqrt(3.0))


def _swish(x):
    return x * jax.nn.sigmoid(x)



def _edge_builder_body(px_hbm, py_hbm, pz_hbm, lo_hbm, hi_hbm, rows_hbm, cols_hbm,
                       evx_hbm, evy_hbm, evz_hbm,
                       px, py, pz, lobuf, hibuf, rbuf, cbuf, xbuf, ybuf, zbuf):
    wid = lax.axis_index("c") * 16 + lax.axis_index("s")
    pltpu.sync_copy(px_hbm, px)
    pltpu.sync_copy(py_hbm, py)
    pltpu.sync_copy(pz_hbm, pz)
    pltpu.sync_copy(lo_hbm.at[pl.ds(wid * SPT * 16, SPT * 16)], lobuf)
    pltpu.sync_copy(hi_hbm.at[pl.ds(wid * SPT * 16, SPT * 16)], hibuf)

    pad_r = jnp.zeros((16,), jnp.int32)
    pad_c = jnp.full((16,), N_NODES, jnp.int32)

    pad_z = jnp.zeros((16,), jnp.float32)

    def prefill(k, _):
        rbuf[pl.ds(k * 16, 16)] = pad_r
        cbuf[pl.ds(k * 16, 16)] = pad_c
        xbuf[pl.ds(k * 16, 16)] = pad_z
        ybuf[pl.ds(k * 16, 16)] = pad_z
        zbuf[pl.ds(k * 16, 16)] = pad_z
        return 0

    lax.fori_loop(0, (EPT + 16) // 16, prefill, 0)

    base_i = wid * SPT
    n_i = jnp.minimum(SPT, N_NODES - base_i)
    lanes = lax.iota(jnp.int32, 16)
    cut2 = jnp.float32(CUTOFF * CUTOFF)

    def per_source(li, off):
        i = base_i + li
        vb = (i // 16) * 16
        onehot = (lanes == (i - vb)).astype(jnp.float32)
        sx = jnp.sum(px[pl.ds(vb, 16)] * onehot)
        sy = jnp.sum(py[pl.ds(vb, 16)] * onehot)
        sz = jnp.sum(pz[pl.ds(vb, 16)] * onehot)
        rvec = jnp.full((16,), i, jnp.int32)
        b0 = lobuf[pl.ds(li * 16, 16)][0] // 16
        b1 = (hibuf[pl.ds(li * 16, 16)][0] + 15) // 16

        def per_block(b, off):
            dx = px[pl.ds(b * 16, 16)] - sx
            dy = py[pl.ds(b * 16, 16)] - sy
            dz = pz[pl.ds(b * 16, 16)] - sz
            d2 = dx * dx + dy * dy + dz * dz
            jvec = lanes + b * 16
            mask = (d2 < cut2) & (jvec != i)
            plsc.store_compressed(rbuf.at[pl.ds(off, 16)], jvec, mask=mask)
            plsc.store_compressed(cbuf.at[pl.ds(off, 16)], rvec, mask=mask)
            plsc.store_compressed(xbuf.at[pl.ds(off, 16)], dx, mask=mask)
            plsc.store_compressed(ybuf.at[pl.ds(off, 16)], dy, mask=mask)
            plsc.store_compressed(zbuf.at[pl.ds(off, 16)], dz, mask=mask)
            cnt = plsc.all_reduce_population_count(mask)[0]
            return jnp.minimum(off + cnt, EPT)

        return lax.fori_loop(b0, b1, per_block, off)

    lax.fori_loop(0, n_i, per_source, jnp.int32(0))

    pltpu.sync_copy(rbuf.at[pl.ds(0, EPT)], rows_hbm.at[pl.ds(wid * EPT, EPT)])
    pltpu.sync_copy(cbuf.at[pl.ds(0, EPT)], cols_hbm.at[pl.ds(wid * EPT, EPT)])
    pltpu.sync_copy(xbuf.at[pl.ds(0, EPT)], evx_hbm.at[pl.ds(wid * EPT, EPT)])
    pltpu.sync_copy(ybuf.at[pl.ds(0, EPT)], evy_hbm.at[pl.ds(wid * EPT, EPT)])
    pltpu.sync_copy(zbuf.at[pl.ds(0, EPT)], evz_hbm.at[pl.ds(wid * EPT, EPT)])


def _build_graph_sc(pos):
    mesh = plsc.VectorSubcoreMesh(core_axis_name="c", subcore_axis_name="s")
    builder = functools.partial(
        pl.kernel,
        mesh=mesh,
        compiler_params=pltpu.CompilerParams(needs_layout_passes=False),
        out_type=[
            jax.ShapeDtypeStruct((MAX_EDGES,), jnp.int32),
            jax.ShapeDtypeStruct((MAX_EDGES,), jnp.int32),
            jax.ShapeDtypeStruct((MAX_EDGES,), jnp.float32),
            jax.ShapeDtypeStruct((MAX_EDGES,), jnp.float32),
            jax.ShapeDtypeStruct((MAX_EDGES,), jnp.float32),
        ],
        scratch_types=[
            pltpu.VMEM((N_NODES,), jnp.float32),
            pltpu.VMEM((N_NODES,), jnp.float32),
            pltpu.VMEM((N_NODES,), jnp.float32),
            pltpu.VMEM((SPT * 16,), jnp.int32),
            pltpu.VMEM((SPT * 16,), jnp.int32),
            pltpu.VMEM((EPT + 16,), jnp.int32),
            pltpu.VMEM((EPT + 16,), jnp.int32),
            pltpu.VMEM((EPT + 16,), jnp.float32),
            pltpu.VMEM((EPT + 16,), jnp.float32),
            pltpu.VMEM((EPT + 16,), jnp.float32),
        ],
    )(_edge_builder_body)
    xs = pos[:, 0]
    lo = jnp.searchsorted(xs, xs - CUTOFF, side='left').astype(jnp.int32)
    hi = jnp.searchsorted(xs, xs + CUTOFF, side='right').astype(jnp.int32)
    pad = N_TILES * SPT
    lo16 = jnp.broadcast_to(
        jnp.zeros((pad,), jnp.int32).at[:N_NODES].set(lo)[:, None],
        (pad, 16)).reshape(-1)
    hi16 = jnp.broadcast_to(
        jnp.zeros((pad,), jnp.int32).at[:N_NODES].set(hi)[:, None],
        (pad, 16)).reshape(-1)
    return builder(xs, pos[:, 1], pos[:, 2], lo16, hi16)



def _edge_block_kernel(evx_ref, evy_ref, evz_ref, xj_ref, col_ref,
                       R1_ref, b1_ref, R2_ref, b2_ref,
                       R3_ref, b3_ref, agg_ref):
    dx = evx_ref[...]
    dy = evy_ref[...]
    dz = evz_ref[...]
    r2 = dx * dx + dy * dy + dz * dz
    r = jnp.sqrt(r2)
    inv = _SQ3 * _SHC / jnp.maximum(r, 1e-9)
    sh1 = dx * inv
    sh2 = dy * inv
    sh3 = dz * inv

    step = CUTOFF / (NB - 1)
    mu = lax.broadcasted_iota(jnp.int32, (1, NB), 1).astype(jnp.float32) * step
    sig = 0.6 * step
    basis = jnp.exp(-((r - mu) ** 2) / (2.0 * sig * sig))

    h1 = jnp.dot(basis, R1_ref[...], preferred_element_type=jnp.float32) + b1_ref[...]
    h1 = _swish(h1)
    h2 = jnp.dot(h1, R2_ref[...], preferred_element_type=jnp.float32) + b2_ref[...]
    h2 = _swish(h2)
    w = jnp.dot(h2, R3_ref[...], preferred_element_type=jnp.float32) + b3_ref[...]
    W0 = w[:, 0 * D:1 * D]
    W1 = w[:, 1 * D:2 * D]
    W2 = w[:, 2 * D:3 * D]
    W3 = w[:, 3 * D:4 * D]

    xj = xj_ref[...].astype(jnp.float32)
    xr1 = pltpu.roll(xj, 3 * MUL, 1)
    xr2 = pltpu.roll(xj, 2 * MUL, 1)
    xr3 = pltpu.roll(xj, MUL, 1)

    gsel = (lax.broadcasted_iota(jnp.int32, (1, D), 1) // MUL) % 2 == 0
    p13 = jnp.where(gsel, sh1, sh3)
    p31 = jnp.where(gsel, sh3, sh1)

    m = (W0 * xj + (W1 * p13) * xr1 + W2 * (sh2 * xr2) + (W3 * p31) * xr3)

    i = pl.program_id(0)
    k = pl.program_id(1)
    t = col_ref[...] - i * SPT
    oh = (t == lax.broadcasted_iota(jnp.int32, (1, RPT), 1))
    partial = lax.dot_general(oh.astype(jnp.bfloat16), m.astype(jnp.bfloat16),
                              (((0,), (0,)), ((), ())),
                              preferred_element_type=jnp.float32)

    @pl.when(k == 0)
    def _():
        agg_ref[...] = partial[None]

    @pl.when(k > 0)
    def _():
        agg_ref[...] += partial[None]


def _edge_messages(evx, evy, evz, xj, col, R1, b1, R2, b2, R3, b3):
    full = lambda shape: pl.BlockSpec(shape, lambda i, k: (0, 0))
    agg = pl.pallas_call(
        _edge_block_kernel,
        grid=(N_TILES, EPT // EB),
        in_specs=[
            pl.BlockSpec((EB, 1), lambda i, k: (i * (EPT // EB) + k, 0)),
            pl.BlockSpec((EB, 1), lambda i, k: (i * (EPT // EB) + k, 0)),
            pl.BlockSpec((EB, 1), lambda i, k: (i * (EPT // EB) + k, 0)),
            pl.BlockSpec((EB, D), lambda i, k: (i * (EPT // EB) + k, 0)),
            pl.BlockSpec((EB, 1), lambda i, k: (i * (EPT // EB) + k, 0)),
            full((NB, RH)), full((1, RH)),
            full((RH, RH)), full((1, RH)),
            full((RH, 4 * D)), full((1, 4 * D)),
        ],
        out_specs=pl.BlockSpec((1, RPT, D), lambda i, k: (i, 0, 0)),
        out_shape=jax.ShapeDtypeStruct((N_TILES, RPT, D), jnp.float32),
        compiler_params=pltpu.CompilerParams(
            dimension_semantics=("parallel", "arbitrary")),
    )(evx.reshape(MAX_EDGES, 1), evy.reshape(MAX_EDGES, 1),
      evz.reshape(MAX_EDGES, 1), xj, col.reshape(MAX_EDGES, 1),
      R1, b1, R2, b2, R3, b3)
    return agg.reshape(N_TILES * RPT, D)


def _arrange_R3(R3, b3):
    idx = np.arange(MUL) * 5
    c = [R3[:, idx + k] for k in range(5)]
    cb = [b3[idx + k] for k in range(5)]
    blocks = [
        [c[0] * _SHC, c[2] * _SHC, c[2] * _SHC, c[2] * _SHC],
        [c[3] * _ISQ3, c[4] * _ISQ2, c[4] * _ISQ2, c[1]],
        [c[3] * _ISQ3, -c[4] * _ISQ2, c[1], c[4] * _ISQ2],
        [c[3] * _ISQ3, c[1], -c[4] * _ISQ2, -c[4] * _ISQ2],
    ]
    bblocks = [
        [cb[0] * _SHC, cb[2] * _SHC, cb[2] * _SHC, cb[2] * _SHC],
        [cb[3] * _ISQ3, cb[4] * _ISQ2, cb[4] * _ISQ2, cb[1]],
        [cb[3] * _ISQ3, -cb[4] * _ISQ2, cb[1], cb[4] * _ISQ2],
        [cb[3] * _ISQ3, cb[1], -cb[4] * _ISQ2, -cb[4] * _ISQ2],
    ]
    R3X = jnp.concatenate([jnp.concatenate(b, axis=1) for b in blocks], axis=1)
    b3X = jnp.concatenate([jnp.concatenate(b, axis=0) for b in bblocks], axis=0)
    return R3X, b3X


def _gate_cm(x):
    s = x[:, :MUL]
    v = x[:, MUL:]
    return jnp.concatenate(
        [_swish(s), jnp.tile(jax.nn.sigmoid(s), (1, 3)) * v], axis=1)


def kernel(z, pos, batch, emb,
           W1_0, W2_0, R1_0, b1_0, R2_0, b2_0, R3_0, b3_0,
           W1_1, W2_1, R1_1, b1_1, R2_1, b2_1, R3_1, b3_1,
           W1_2, W2_2, R1_2, b1_2, R2_2, b2_2, R3_2, b3_2):
    n = z.shape[0]
    order = jnp.argsort(pos[:, 0])
    pos = pos[order]
    z = z[order]
    row, col, evx, evy, evz = _build_graph_sc(pos)

    h = jnp.concatenate(
        [emb[z], jnp.zeros((n, 3 * MUL), emb.dtype)], axis=1)

    layers = [
        (W1_0, W2_0, R1_0, b1_0, R2_0, b2_0, R3_0, b3_0),
        (W1_1, W2_1, R1_1, b1_1, R2_1, b2_1, R3_1, b3_1),
        (W1_2, W2_2, R1_2, b1_2, R2_2, b2_2, R3_2, b3_2),
    ]
    for li, (W1, W2, R1, b1, R2, b2, R3, b3) in enumerate(layers):
        W1cm = W1[_PERM_X]
        W2cm = W2[_PERM_X]
        if W1.shape[1] == D:
            W1cm = W1cm[:, _PERM_X]
            W2cm = W2cm[:, _PERM_X]
        R3X, b3X = _arrange_R3(R3, b3)
        si = h @ W1cm
        xj = h.astype(jnp.bfloat16)[row]
        aggf = _edge_messages(evx, evy, evz, xj, col,
                              R1, b1.reshape(1, RH), R2, b2.reshape(1, RH),
                              R3X, b3X.reshape(1, 4 * D))
        agg = aggf.reshape(N_TILES, RPT, D)[:, :SPT, :].reshape(N_TILES * SPT, D)[:n]
        h = (0.5 ** 0.5) * (si + agg @ W2cm)
        if li < 2:
            h = _gate_cm(h)

    return jnp.sum(h, axis=0).reshape(1, -1)

# --- scband reference (transcript-rebuilt; emitter-appended) ---
"""Pipeline reference for scband-network-80985903334261 (READ-ONLY COPY).

The authoritative reference and input builder live on the scoring server;
editing this copy changes nothing except your own understanding.
"""

import jax, jax.numpy as jnp
import numpy as np

N_NODES = 10000
MUL = 32
CUTOFF = 0.08
NB = 3
RH = 200
NNORM = 20.0
D = MUL * 4
NW = MUL * 5
MAX_EDGES = N_NODES * 32

def swish(x):
    return x * jax.nn.sigmoid(x)

def build_edges(pos, cutoff):
    n = pos.shape[0]
    chunk = 1000
    masks = []
    for i in range(0, n, chunk):
        d2 = ((pos[i:i + chunk, None, :] - pos[None, :, :]) ** 2).sum(-1)
        m = d2 < cutoff * cutoff
        loc = jnp.arange(m.shape[0])
        m = m.at[loc, loc + i].set(False)
        masks.append(m)
    mask = jnp.concatenate(masks, axis=0)
    rows, cols = jnp.nonzero(mask, size=MAX_EDGES, fill_value=(0, n))
    return rows.astype(jnp.int32), cols.astype(jnp.int32)

def radial(r, R1, b1, R2, b2, R3, b3):
    mu = jnp.linspace(0.0, CUTOFF, NB)
    step = CUTOFF / (NB - 1)
    sig = 0.6 * step
    basis = jnp.exp(-((r[:, None] - mu[None, :]) ** 2) / (2.0 * sig * sig))
    h = swish(basis @ R1 + b1)
    h = swish(h @ R2 + b2)
    return h @ R3 + b3

def sph(edge_vec):
    r = jnp.linalg.norm(edge_vec, axis=1, keepdims=True)
    unit = edge_vec / jnp.maximum(r, 1e-9)
    sh = jnp.concatenate([jnp.ones_like(r), jnp.sqrt(3.0) * unit], axis=1)
    return sh / jnp.sqrt(NNORM)

def conv(x, row, col, edge_vec, W1, W2, R1, b1, R2, b2, R3, b3, n):
    sh = sph(edge_vec)
    r = jnp.linalg.norm(edge_vec, axis=1)
    w = radial(r, R1, b1, R2, b2, R3, b3).reshape(-1, MUL, 5)
    si = x @ W1
    xj = x[row].reshape(-1, MUL, 4)
    s = xj[:, :, 0]
    v = xj[:, :, 1:4]
    sh0 = sh[:, 0:1]
    shv = sh[:, 1:4]
    s_out = w[:, :, 0] * s * sh0 + w[:, :, 3] * jnp.einsum('eck,ek->ec', v, shv) / jnp.sqrt(3.0)
    shv_b = jnp.broadcast_to(shv[:, None, :], v.shape)
    v_out = (w[:, :, 1][:, :, None] * s[:, :, None] * shv[:, None, :]
             + w[:, :, 2][:, :, None] * v * sh0[:, :, None]
             + w[:, :, 4][:, :, None] * jnp.cross(v, shv_b, axis=-1) / jnp.sqrt(2.0))
    m = jnp.concatenate([s_out[:, :, None], v_out], axis=2).reshape(-1, D)
    agg = jax.ops.segment_sum(m, col, num_segments=n)
    return (0.5 ** 0.5) * (si + agg @ W2)

def gate(x):
    n = x.shape[0]
    x = x.reshape(n, MUL, 4)
    s = x[:, :, 0]
    v = x[:, :, 1:4]
    return jnp.concatenate([swish(s)[:, :, None], jax.nn.sigmoid(s)[:, :, None] * v], axis=2).reshape(n, D)

def setup_inputs(seed: int = 0):
    key = jax.random.key(seed)
    ks = jax.random.split(key, 20)
    inp = {}
    inp['z'] = jax.random.randint(ks[0], (N_NODES,), 0, 100)
    inp['pos'] = jax.random.uniform(ks[1], (N_NODES, 3), dtype=jnp.float32)
    inp['batch'] = jnp.zeros((N_NODES,), dtype=jnp.int32)
    inp['emb'] = jax.random.normal(ks[2], (100, MUL), dtype=jnp.float32)
    ki = 3
    for i in range(3):
        d_out = D if i < 2 else 1
        inp['W1_%d' % i] = jax.random.normal(ks[ki], (D, d_out), dtype=jnp.float32) / np.sqrt(D); ki += 1
        inp['W2_%d' % i] = jax.random.normal(ks[ki], (D, d_out), dtype=jnp.float32) / np.sqrt(D); ki += 1
        inp['R1_%d' % i] = jax.random.normal(ks[ki], (NB, RH), dtype=jnp.float32) / np.sqrt(NB); ki += 1
        inp['b1_%d' % i] = jnp.zeros((RH,), dtype=jnp.float32)
        inp['R2_%d' % i] = jax.random.normal(ks[ki], (RH, RH), dtype=jnp.float32) / np.sqrt(RH); ki += 1
        inp['b2_%d' % i] = jnp.zeros((RH,), dtype=jnp.float32)
        inp['R3_%d' % i] = jax.random.normal(ks[ki], (RH, NW), dtype=jnp.float32) / np.sqrt(RH); ki += 1
        inp['b3_%d' % i] = jnp.zeros((NW,), dtype=jnp.float32)
    return inp

def reference(z, pos, batch, emb,
              W1_0, W2_0, R1_0, b1_0, R2_0, b2_0, R3_0, b3_0,
              W1_1, W2_1, R1_1, b1_1, R2_1, b2_1, R3_1, b3_1,
              W1_2, W2_2, R1_2, b1_2, R2_2, b2_2, R3_2, b3_2):
    n = z.shape[0]
    row, col = build_edges(pos, CUTOFF)
    edge_vec = pos[row] - pos[col]
    h = emb[z]
    h = jnp.concatenate([h[:, :, None], jnp.zeros((n, MUL, 3), h.dtype)], axis=2).reshape(n, D)
    h = conv(h, row, col, edge_vec, W1_0, W2_0, R1_0, b1_0, R2_0, b2_0, R3_0, b3_0, n)
    h = gate(h)
    h = conv(h, row, col, edge_vec, W1_1, W2_1, R1_1, b1_1, R2_1, b2_1, R3_1, b3_1, n)
    h = gate(h)
    h = conv(h, row, col, edge_vec, W1_2, W2_2, R1_2, b1_2, R2_2, b2_2, R3_2, b3_2, n)
    return jax.ops.segment_sum(h, batch, num_segments=1)

if __name__ == "__main__":
    import jax
    _d = setup_inputs()
    print(jax.jit(kernel)(*tuple(_d.values())))

</pallas_src>

<mosaic_0001>
#map = affine_map<(d0, d1) -> (0)>
module attributes {stable_mosaic.version = 14 : i64} {
  func.func @_edge_builder_body(%arg0: i32, %arg1: i32, %arg2: memref<10000xf32, #tpu.memory_space<hbm>>, %arg3: memref<10000xf32, #tpu.memory_space<hbm>>, %arg4: memref<10000xf32, #tpu.memory_space<hbm>>, %arg5: memref<160256xi32, #tpu.memory_space<hbm>>, %arg6: memref<160256xi32, #tpu.memory_space<hbm>>, %arg7: memref<320000xi32, #tpu.memory_space<hbm>>, %arg8: memref<320000xi32, #tpu.memory_space<hbm>>, %arg9: memref<320000xf32, #tpu.memory_space<hbm>>, %arg10: memref<320000xf32, #tpu.memory_space<hbm>>, %arg11: memref<320000xf32, #tpu.memory_space<hbm>>, %arg12: memref<10000xf32, #tpu.memory_space<vmem>>, %arg13: memref<10000xf32, #tpu.memory_space<vmem>>, %arg14: memref<10000xf32, #tpu.memory_space<vmem>>, %arg15: memref<5008xi32, #tpu.memory_space<vmem>>, %arg16: memref<5008xi32, #tpu.memory_space<vmem>>, %arg17: memref<10016xi32, #tpu.memory_space<vmem>>, %arg18: memref<10016xi32, #tpu.memory_space<vmem>>, %arg19: memref<10016xf32, #tpu.memory_space<vmem>>, %arg20: memref<10016xf32, #tpu.memory_space<vmem>>, %arg21: memref<10016xf32, #tpu.memory_space<vmem>>) attributes {dimension_semantics = [#tpu.dimension_semantics<core_parallel>, #tpu.dimension_semantics<subcore_parallel>], iteration_bounds = array<i64: 2, 16>, scalar_prefetch = 0 : i64, scratch_operands = 10 : i64, tpu.core_type = #tpu.core_type<sc_vector_subcore>, window_params = [{transform_indices = #map}, {transform_indices = #map}, {transform_indices = #map}, {transform_indices = #map}, {transform_indices = #map}, {transform_indices = #map}, {transform_indices = #map}, {transform_indices = #map}, {transform_indices = #map}, {transform_indices = #map}]} {
    %mul3A = arith.constant 16 : i32
    %mul3A_0 = arith.muli %arg0, %mul3A : i32
    %add3A = arith.addi %mul3A_0, %arg1 : i32
    "tpu.region"() ({
      %run_scoped3A = tpu.sem_alloc : memref<!tpu.dma_semaphore, #tpu.memory_space<semaphore_mem>>
      tpu.enqueue_dma source(%arg2 : memref<10000xf32, #tpu.memory_space<hbm>>) target(%arg12 : memref<10000xf32, #tpu.memory_space<vmem>>) target_semaphore(%run_scoped3A : memref<!tpu.dma_semaphore, #tpu.memory_space<semaphore_mem>>)
      tpu.wait_dma2 semaphore(%run_scoped3A : memref<!tpu.dma_semaphore, #tpu.memory_space<semaphore_mem>>) src(%arg2 : memref<10000xf32, #tpu.memory_space<hbm>>) dst(%arg12 : memref<10000xf32, #tpu.memory_space<vmem>>)
      tpu.yield
    }) : () -> ()
    "tpu.region"() ({
      %run_scoped3A = tpu.sem_alloc : memref<!tpu.dma_semaphore, #tpu.memory_space<semaphore_mem>>
      tpu.enqueue_dma source(%arg3 : memref<10000xf32, #tpu.memory_space<hbm>>) target(%arg13 : memref<10000xf32, #tpu.memory_space<vmem>>) target_semaphore(%run_scoped3A : memref<!tpu.dma_semaphore, #tpu.memory_space<semaphore_mem>>)
      tpu.wait_dma2 semaphore(%run_scoped3A : memref<!tpu.dma_semaphore, #tpu.memory_space<semaphore_mem>>) src(%arg3 : memref<10000xf32, #tpu.memory_space<hbm>>) dst(%arg13 : memref<10000xf32, #tpu.memory_space<vmem>>)
      tpu.yield
    }) : () -> ()
    "tpu.region"() ({
      %run_scoped3A = tpu.sem_alloc : memref<!tpu.dma_semaphore, #tpu.memory_space<semaphore_mem>>
      tpu.enqueue_dma source(%arg4 : memref<10000xf32, #tpu.memory_space<hbm>>) target(%arg14 : memref<10000xf32, #tpu.memory_space<vmem>>) target_semaphore(%run_scoped3A : memref<!tpu.dma_semaphore, #tpu.memory_space<semaphore_mem>>)
      tpu.wait_dma2 semaphore(%run_scoped3A : memref<!tpu.dma_semaphore, #tpu.memory_space<semaphore_mem>>) src(%arg4 : memref<10000xf32, #tpu.memory_space<hbm>>) dst(%arg14 : memref<10000xf32, #tpu.memory_space<vmem>>)
      tpu.yield
    }) : () -> ()
    %mul3A_1 = arith.constant 313 : i32
    %mul3A_2 = arith.muli %add3A, %mul3A_1 : i32
    %mul3A_3 = arith.constant 16 : i32
    %mul3A_4 = arith.muli %mul3A_2, %mul3A_3 : i32
    "tpu.region"() ({
      %run_scoped3A = tpu.sem_alloc : memref<!tpu.dma_semaphore, #tpu.memory_space<semaphore_mem>>
      %dma_start3A = tpu.memref_slice %arg5[%mul3A_4] : memref<160256xi32, #tpu.memory_space<hbm>> -> memref<5008xi32, #tpu.memory_space<hbm>>
      %dma_start3A_46 = tpu.memref_slice %arg5[%mul3A_4] : memref<160256xi32, #tpu.memory_space<hbm>> -> memref<5008xi32, #tpu.memory_space<hbm>>
      tpu.enqueue_dma source(%dma_start3A_46 : memref<5008xi32, #tpu.memory_space<hbm>>) target(%arg15 : memref<5008xi32, #tpu.memory_space<vmem>>) target_semaphore(%run_scoped3A : memref<!tpu.dma_semaphore, #tpu.memory_space<semaphore_mem>>)
      %dma_wait3A = tpu.memref_slice %arg5[%mul3A_4] : memref<160256xi32, #tpu.memory_space<hbm>> -> memref<5008xi32, #tpu.memory_space<hbm>>
      %dma_wait3A_47 = tpu.memref_slice %arg5[%mul3A_4] : memref<160256xi32, #tpu.memory_space<hbm>> -> memref<5008xi32, #tpu.memory_space<hbm>>
      tpu.wait_dma2 semaphore(%run_scoped3A : memref<!tpu.dma_semaphore, #tpu.memory_space<semaphore_mem>>) src(%dma_wait3A_47 : memref<5008xi32, #tpu.memory_space<hbm>>) dst(%arg15 : memref<5008xi32, #tpu.memory_space<vmem>>)
      tpu.yield
    }) : () -> ()
    %mul3A_5 = arith.constant 313 : i32
    %mul3A_6 = arith.muli %add3A, %mul3A_5 : i32
    %mul3A_7 = arith.constant 16 : i32
    %mul3A_8 = arith.muli %mul3A_6, %mul3A_7 : i32
    "tpu.region"() ({
      %run_scoped3A = tpu.sem_alloc : memref<!tpu.dma_semaphore, #tpu.memory_space<semaphore_mem>>
      %dma_start3A = tpu.memref_slice %arg6[%mul3A_8] : memref<160256xi32, #tpu.memory_space<hbm>> -> memref<5008xi32, #tpu.memory_space<hbm>>
      %dma_start3A_46 = tpu.memref_slice %arg6[%mul3A_8] : memref<160256xi32, #tpu.memory_space<hbm>> -> memref<5008xi32, #tpu.memory_space<hbm>>
      tpu.enqueue_dma source(%dma_start3A_46 : memref<5008xi32, #tpu.memory_space<hbm>>) target(%arg16 : memref<5008xi32, #tpu.memory_space<vmem>>) target_semaphore(%run_scoped3A : memref<!tpu.dma_semaphore, #tpu.memory_space<semaphore_mem>>)
      %dma_wait3A = tpu.memref_slice %arg6[%mul3A_8] : memref<160256xi32, #tpu.memory_space<hbm>> -> memref<5008xi32, #tpu.memory_space<hbm>>
      %dma_wait3A_47 = tpu.memref_slice %arg6[%mul3A_8] : memref<160256xi32, #tpu.memory_space<hbm>> -> memref<5008xi32, #tpu.memory_space<hbm>>
      tpu.wait_dma2 semaphore(%run_scoped3A : memref<!tpu.dma_semaphore, #tpu.memory_space<semaphore_mem>>) src(%dma_wait3A_47 : memref<5008xi32, #tpu.memory_space<hbm>>) dst(%arg16 : memref<5008xi32, #tpu.memory_space<vmem>>)
      tpu.yield
    }) : () -> ()
    %broadcast_in_dim3A = arith.constant 0 : i32
    %broadcast_in_dim3A_9 = vector.broadcast %broadcast_in_dim3A : i32 to vector<16xi32>
    %broadcast_in_dim3A_10 = arith.constant 10000 : i32
    %broadcast_in_dim3A_11 = vector.broadcast %broadcast_in_dim3A_10 : i32 to vector<16xi32>
    %broadcast_in_dim3A_12 = arith.constant 0.000000e+00 : f32
    %broadcast_in_dim3A_13 = vector.broadcast %broadcast_in_dim3A_12 : f32 to vector<16xf32>
    %scan3A = arith.constant 0 : i32
    %scan3A_14 = arith.constant 0 : i32
    %scan3A_15 = arith.constant 626 : i32
    %scan3A_16 = arith.addi %scan3A_14, %scan3A_15 : i32
    %scan3A_17 = arith.constant 1 : i32
    %scan3A_18 = scf.for %scan3A_46 = %scan3A_14 to %scan3A_16 step %scan3A_17 iter_args(%scan3A_47 = %scan3A) -> (i32)  : i32 {
      %mul3A_48 = arith.constant 16 : i32
      %mul3A_49 = arith.muli %scan3A_46, %mul3A_48 : i32
      %swap3A = arith.index_cast %mul3A_49 : i32 to index
      %swap3A_50 = tpu.vector_load %arg17[%swap3A] {strides = array<i32>} : memref<10016xi32, #tpu.memory_space<vmem>>, vector<16xi32>,
      tpu.vector_store %arg17[%swap3A], %broadcast_in_dim3A_9 {strides = array<i32>} : memref<10016xi32, #tpu.memory_space<vmem>>, vector<16xi32>,
      %mul3A_51 = arith.constant 16 : i32
      %mul3A_52 = arith.muli %scan3A_46, %mul3A_51 : i32
      %swap3A_53 = arith.index_cast %mul3A_52 : i32 to index
      %swap3A_54 = tpu.vector_load %arg18[%swap3A_53] {strides = array<i32>} : memref<10016xi32, #tpu.memory_space<vmem>>, vector<16xi32>,
      tpu.vector_store %arg18[%swap3A_53], %broadcast_in_dim3A_11 {strides = array<i32>} : memref<10016xi32, #tpu.memory_space<vmem>>, vector<16xi32>,
      %mul3A_55 = arith.constant 16 : i32
      %mul3A_56 = arith.muli %scan3A_46, %mul3A_55 : i32
      %swap3A_57 = arith.index_cast %mul3A_56 : i32 to index
      %swap3A_58 = tpu.vector_load %arg19[%swap3A_57] {strides = array<i32>} : memref<10016xf32, #tpu.memory_space<vmem>>, vector<16xf32>,
      tpu.vector_store %arg19[%swap3A_57], %broadcast_in_dim3A_13 {strides = array<i32>} : memref<10016xf32, #tpu.memory_space<vmem>>, vector<16xf32>,
      %mul3A_59 = arith.constant 16 : i32
      %mul3A_60 = arith.muli %scan3A_46, %mul3A_59 : i32
      %swap3A_61 = arith.index_cast %mul3A_60 : i32 to index
      %swap3A_62 = tpu.vector_load %arg20[%swap3A_61] {strides = array<i32>} : memref<10016xf32, #tpu.memory_space<vmem>>, vector<16xf32>,
      tpu.vector_store %arg20[%swap3A_61], %broadcast_in_dim3A_13 {strides = array<i32>} : memref<10016xf32, #tpu.memory_space<vmem>>, vector<16xf32>,
      %mul3A_63 = arith.constant 16 : i32
      %mul3A_64 = arith.muli %scan3A_46, %mul3A_63 : i32
      %swap3A_65 = arith.index_cast %mul3A_64 : i32 to index
      %swap3A_66 = tpu.vector_load %arg21[%swap3A_65] {strides = array<i32>} : memref<10016xf32, #tpu.memory_space<vmem>>, vector<16xf32>,
      tpu.vector_store %arg21[%swap3A_65], %broadcast_in_dim3A_13 {strides = array<i32>} : memref<10016xf32, #tpu.memory_space<vmem>>, vector<16xf32>,
      %scan3A_67 = arith.constant 0 : i32
      scf.yield %scan3A_67 : i32
    }
    %scan3A_19 = arith.constant 626 : i32
    %mul3A_20 = arith.constant 313 : i32
    %mul3A_21 = arith.muli %add3A, %mul3A_20 : i32
    %sub3A = arith.constant 10000 : i32
    %sub3A_22 = arith.subi %sub3A, %mul3A_21 : i32
    %min3A = arith.constant 313 : i32
    %min3A_23 = arith.minsi %min3A, %sub3A_22 : i32
    %iota3A = tpu.iota {dimensions = array<i32: 0>} : vector<16xi32>
    %while3A = arith.constant 6.400000e-03 : f32
    %while3A_24 = arith.constant 0 : i32
    %while3A_25 = arith.constant 0 : i32
    %while3A_26 = arith.subi %min3A_23, %while3A_24 : i32
    %while3A_27 = arith.addi %while3A_24, %while3A_26 : i32
    %while3A_28 = arith.constant 1 : i32
    %while3A_29 = arith.divsi %while3A_26, %while3A_28 : i32
    %while3A_30 = arith.muli %while3A_29, %while3A_28 : i32
    %while3A_31 = arith.addi %while3A_24, %while3A_30 : i32
    %while3A_32 = arith.constant 1 : i32
    %while3A_33 = scf.for %while3A_46 = %while3A_24 to %while3A_31 step %while3A_32 iter_args(%while3A_47 = %while3A_25) -> (i32)  : i32 {
      %add3A_48 = arith.addi %mul3A_21, %while3A_46 : i32
      %jit3A = arith.constant 16 : i32
      %div3A = arith.divsi %add3A_48, %jit3A : i32
      %sign3A = arith.constant 0 : i32
      %sign3A_49 = arith.cmpi sgt, %add3A_48, %sign3A : i32
      %sign3A_50 = arith.extui %sign3A_49 : i1 to i32
      %sign3A_51 = arith.constant 0 : i32
      %sign3A_52 = arith.cmpi slt, %add3A_48, %sign3A_51 : i32
      %sign3A_53 = arith.extui %sign3A_52 : i1 to i32
      %sign3A_54 = arith.subi %sign3A_50, %sign3A_53 : i32
      %sign3A_55 = arith.constant 0 : i32
      %sign3A_56 = arith.cmpi sgt, %jit3A, %sign3A_55 : i32
      %sign3A_57 = arith.extui %sign3A_56 : i1 to i32
      %sign3A_58 = arith.constant 0 : i32
      %sign3A_59 = arith.cmpi slt, %jit3A, %sign3A_58 : i32
      %sign3A_60 = arith.extui %sign3A_59 : i1 to i32
      %sign3A_61 = arith.subi %sign3A_57, %sign3A_60 : i32
      %ne3A = arith.cmpi ne, %sign3A_54, %sign3A_61 : i32
      %rem3A = arith.remsi %add3A_48, %jit3A : i32
      %ne3A_62 = arith.constant 0 : i32
      %ne3A_63 = arith.cmpi ne, %rem3A, %ne3A_62 : i32
      %and3A = arith.andi %ne3A, %ne3A_63 : i1
      %sub3A_64 = arith.constant 1 : i32
      %sub3A_65 = arith.subi %div3A, %sub3A_64 : i32
      %select_n3A = arith.select %and3A, %sub3A_65, %div3A : i32
      %mul3A_66 = arith.constant 16 : i32
      %mul3A_67 = arith.muli %select_n3A, %mul3A_66 : i32
      %sub3A_68 = arith.subi %add3A_48, %mul3A_67 : i32
      %eq3A = vector.broadcast %sub3A_68 : i32 to vector<16xi32>
      %eq3A_69 = arith.cmpi eq, %iota3A, %eq3A : vector<16xi32>
      %convert_element_type3A = arith.extui %eq3A_69 : vector<16xi1> to vector<16xi32>
      %convert_element_type3A_70 = arith.sitofp %convert_element_type3A : vector<16xi32> to vector<16xf32>
      %get3A = arith.index_cast %mul3A_67 : i32 to index
      %get3A_71 = tpu.vector_load %arg12[%get3A] {strides = array<i32>} : memref<10000xf32, #tpu.memory_space<vmem>>, vector<16xf32>,
      %mul3A_72 = arith.mulf %get3A_71, %convert_element_type3A_70 : vector<16xf32>
      %reduce_sum3A = arith.constant true
      %reduce_sum3A_73 = vector.broadcast %reduce_sum3A : i1 to vector<16xi1>
      %reduce_sum3A_74 = tpu.scan <sum>, %mul3A_72 masked %reduce_sum3A_73 : vector<16xf32>, vector<16xi1> -> vector<16xf32>
      %reduce_sum3A_75 = vector.extract %reduce_sum3A_74[15] : f32 from vector<16xf32>
      %get3A_76 = arith.index_cast %mul3A_67 : i32 to index
      %get3A_77 = tpu.vector_load %arg13[%get3A_76] {strides = array<i32>} : memref<10000xf32, #tpu.memory_space<vmem>>, vector<16xf32>,
      %mul3A_78 = arith.mulf %get3A_77, %convert_element_type3A_70 : vector<16xf32>
      %reduce_sum3A_79 = arith.constant true
      %reduce_sum3A_80 = vector.broadcast %reduce_sum3A_79 : i1 to vector<16xi1>
      %reduce_sum3A_81 = tpu.scan <sum>, %mul3A_78 masked %reduce_sum3A_80 : vector<16xf32>, vector<16xi1> -> vector<16xf32>
      %reduce_sum3A_82 = vector.extract %reduce_sum3A_81[15] : f32 from vector<16xf32>
      %get3A_83 = arith.index_cast %mul3A_67 : i32 to index
      %get3A_84 = tpu.vector_load %arg14[%get3A_83] {strides = array<i32>} : memref<10000xf32, #tpu.memory_space<vmem>>, vector<16xf32>,
      %mul3A_85 = arith.mulf %get3A_84, %convert_element_type3A_70 : vector<16xf32>
      %reduce_sum3A_86 = arith.constant true
      %reduce_sum3A_87 = vector.broadcast %reduce_sum3A_86 : i1 to vector<16xi1>
      %reduce_sum3A_88 = tpu.scan <sum>, %mul3A_85 masked %reduce_sum3A_87 : vector<16xf32>, vector<16xi1> -> vector<16xf32>
      %reduce_sum3A_89 = vector.extract %reduce_sum3A_88[15] : f32 from vector<16xf32>
      %broadcast_in_dim3A_90 = vector.broadcast %add3A_48 : i32 to vector<16xi32>
      %mul3A_91 = arith.constant 16 : i32
      %mul3A_92 = arith.muli %while3A_46, %mul3A_91 : i32
      %get3A_93 = arith.index_cast %mul3A_92 : i32 to index
      %get3A_94 = tpu.vector_load %arg15[%get3A_93] {strides = array<i32>} : memref<5008xi32, #tpu.memory_space<vmem>>, vector<16xi32>,
      %slice3A = vector.extract_strided_slice %get3A_94 {offsets = [0], sizes = [1], strides = [1]} : vector<16xi32> to vector<1xi32>
      %squeeze3A = vector.extract %slice3A[0] : i32 from vector<1xi32>
      %jit3A_95 = arith.constant 16 : i32
      %div3A_96 = arith.divsi %squeeze3A, %jit3A_95 : i32
      %sign3A_97 = arith.constant 0 : i32
      %sign3A_98 = arith.cmpi sgt, %squeeze3A, %sign3A_97 : i32
      %sign3A_99 = arith.extui %sign3A_98 : i1 to i32
      %sign3A_100 = arith.constant 0 : i32
      %sign3A_101 = arith.cmpi slt, %squeeze3A, %sign3A_100 : i32
      %sign3A_102 = arith.extui %sign3A_101 : i1 to i32
      %sign3A_103 = arith.subi %sign3A_99, %sign3A_102 : i32
      %sign3A_104 = arith.constant 0 : i32
      %sign3A_105 = arith.cmpi sgt, %jit3A_95, %sign3A_104 : i32
      %sign3A_106 = arith.extui %sign3A_105 : i1 to i32
      %sign3A_107 = arith.constant 0 : i32
      %sign3A_108 = arith.cmpi slt, %jit3A_95, %sign3A_107 : i32
      %sign3A_109 = arith.extui %sign3A_108 : i1 to i32
      %sign3A_110 = arith.subi %sign3A_106, %sign3A_109 : i32
      %ne3A_111 = arith.cmpi ne, %sign3A_103, %sign3A_110 : i32
      %rem3A_112 = arith.remsi %squeeze3A, %jit3A_95 : i32
      %ne3A_113 = arith.constant 0 : i32
      %ne3A_114 = arith.cmpi ne, %rem3A_112, %ne3A_113 : i32
      %and3A_115 = arith.andi %ne3A_111, %ne3A_114 : i1
      %sub3A_116 = arith.constant 1 : i32
      %sub3A_117 = arith.subi %div3A_96, %sub3A_116 : i32
      %select_n3A_118 = arith.select %and3A_115, %sub3A_117, %div3A_96 : i32
      %mul3A_119 = arith.constant 16 : i32
      %mul3A_120 = arith.muli %while3A_46, %mul3A_119 : i32
      %get3A_121 = arith.index_cast %mul3A_120 : i32 to index
      %get3A_122 = tpu.vector_load %arg16[%get3A_121] {strides = array<i32>} : memref<5008xi32, #tpu.memory_space<vmem>>, vector<16xi32>,
      %slice3A_123 = vector.extract_strided_slice %get3A_122 {offsets = [0], sizes = [1], strides = [1]} : vector<16xi32> to vector<1xi32>
      %squeeze3A_124 = vector.extract %slice3A_123[0] : i32 from vector<1xi32>
      %add3A_125 = arith.constant 15 : i32
      %add3A_126 = arith.addi %squeeze3A_124, %add3A_125 : i32
      %jit3A_127 = arith.constant 16 : i32
      %div3A_128 = arith.divsi %add3A_126, %jit3A_127 : i32
      %sign3A_129 = arith.constant 0 : i32
      %sign3A_130 = arith.cmpi sgt, %add3A_126, %sign3A_129 : i32
      %sign3A_131 = arith.extui %sign3A_130 : i1 to i32
      %sign3A_132 = arith.constant 0 : i32
      %sign3A_133 = arith.cmpi slt, %add3A_126, %sign3A_132 : i32
      %sign3A_134 = arith.extui %sign3A_133 : i1 to i32
      %sign3A_135 = arith.subi %sign3A_131, %sign3A_134 : i32
      %sign3A_136 = arith.constant 0 : i32
      %sign3A_137 = arith.cmpi sgt, %jit3A_127, %sign3A_136 : i32
      %sign3A_138 = arith.extui %sign3A_137 : i1 to i32
      %sign3A_139 = arith.constant 0 : i32
      %sign3A_140 = arith.cmpi slt, %jit3A_127, %sign3A_139 : i32
      %sign3A_141 = arith.extui %sign3A_140 : i1 to i32
      %sign3A_142 = arith.subi %sign3A_138, %sign3A_141 : i32
      %ne3A_143 = arith.cmpi ne, %sign3A_135, %sign3A_142 : i32
      %rem3A_144 = arith.remsi %add3A_126, %jit3A_127 : i32
      %ne3A_145 = arith.constant 0 : i32
      %ne3A_146 = arith.cmpi ne, %rem3A_144, %ne3A_145 : i32
      %and3A_147 = arith.andi %ne3A_143, %ne3A_146 : i1
      %sub3A_148 = arith.constant 1 : i32
      %sub3A_149 = arith.subi %div3A_128, %sub3A_148 : i32
      %select_n3A_150 = arith.select %and3A_147, %sub3A_149, %div3A_128 : i32
      %while3A_151 = arith.subi %select_n3A_150, %select_n3A_118 : i32
      %while3A_152 = arith.addi %select_n3A_118, %while3A_151 : i32
      %while3A_153 = arith.constant 1 : i32
      %while3A_154 = arith.divsi %while3A_151, %while3A_153 : i32
      %while3A_155 = arith.muli %while3A_154, %while3A_153 : i32
      %while3A_156 = arith.addi %select_n3A_118, %while3A_155 : i32
      %while3A_157 = arith.constant 1 : i32
      %while3A_158 = scf.for %while3A_161 = %select_n3A_118 to %while3A_156 step %while3A_157 iter_args(%while3A_162 = %while3A_47) -> (i32)  : i32 {
        %mul3A_163 = arith.constant 16 : i32
        %mul3A_164 = arith.muli %while3A_161, %mul3A_163 : i32
        %get3A_165 = arith.index_cast %mul3A_164 : i32 to index
        %get3A_166 = tpu.vector_load %arg12[%get3A_165] {strides = array<i32>} : memref<10000xf32, #tpu.memory_space<vmem>>, vector<16xf32>,
        %sub3A_167 = vector.broadcast %reduce_sum3A_75 : f32 to vector<16xf32>
        %sub3A_168 = arith.subf %get3A_166, %sub3A_167 : vector<16xf32>
        %mul3A_169 = arith.constant 16 : i32
        %mul3A_170 = arith.muli %while3A_161, %mul3A_169 : i32
        %get3A_171 = arith.index_cast %mul3A_170 : i32 to index
        %get3A_172 = tpu.vector_load %arg13[%get3A_171] {strides = array<i32>} : memref<10000xf32, #tpu.memory_space<vmem>>, vector<16xf32>,
        %sub3A_173 = vector.broadcast %reduce_sum3A_82 : f32 to vector<16xf32>
        %sub3A_174 = arith.subf %get3A_172, %sub3A_173 : vector<16xf32>
        %mul3A_175 = arith.constant 16 : i32
        %mul3A_176 = arith.muli %while3A_161, %mul3A_175 : i32
        %get3A_177 = arith.index_cast %mul3A_176 : i32 to index
        %get3A_178 = tpu.vector_load %arg14[%get3A_177] {strides = array<i32>} : memref<10000xf32, #tpu.memory_space<vmem>>, vector<16xf32>,
        %sub3A_179 = vector.broadcast %reduce_sum3A_89 : f32 to vector<16xf32>
        %sub3A_180 = arith.subf %get3A_178, %sub3A_179 : vector<16xf32>
        %mul3A_181 = arith.mulf %sub3A_168, %sub3A_168 : vector<16xf32>
        %mul3A_182 = arith.mulf %sub3A_174, %sub3A_174 : vector<16xf32>
        %add3A_183 = arith.addf %mul3A_181, %mul3A_182 : vector<16xf32>
        %mul3A_184 = arith.mulf %sub3A_180, %sub3A_180 : vector<16xf32>
        %add3A_185 = arith.addf %add3A_183, %mul3A_184 : vector<16xf32>
        %mul3A_186 = arith.constant 16 : i32
        %mul3A_187 = arith.muli %while3A_161, %mul3A_186 : i32
        %add3A_188 = vector.broadcast %mul3A_187 : i32 to vector<16xi32>
        %add3A_189 = arith.addi %iota3A, %add3A_188 : vector<16xi32>
        %lt3A = vector.broadcast %while3A : f32 to vector<16xf32>
        %lt3A_190 = arith.cmpf olt, %add3A_185, %lt3A : vector<16xf32>
        %ne3A_191 = vector.broadcast %add3A_48 : i32 to vector<16xi32>
        %ne3A_192 = arith.cmpi ne, %add3A_189, %ne3A_191 : vector<16xi32>
        %and3A_193 = arith.andi %lt3A_190, %ne3A_192 : vector<16xi1>
        %swap3A = arith.index_cast %while3A_162 : i32 to index
        %swap3A_194 = tpu.vector_load %arg17[%swap3A] masked %and3A_193 {strides = array<i32>} : memref<10016xi32, #tpu.memory_space<vmem>>, vector<16xi32>, vector<16xi1>
        tpu.vector_store %arg17[%swap3A], %add3A_189 masked %and3A_193 {strides = array<i32>} : memref<10016xi32, #tpu.memory_space<vmem>>, vector<16xi32>, vector<16xi1>
        %swap3A_195 = arith.index_cast %while3A_162 : i32 to index
        %swap3A_196 = tpu.vector_load %arg18[%swap3A_195] masked %and3A_193 {strides = array<i32>} : memref<10016xi32, #tpu.memory_space<vmem>>, vector<16xi32>, vector<16xi1>
        tpu.vector_store %arg18[%swap3A_195], %broadcast_in_dim3A_90 masked %and3A_193 {strides = array<i32>} : memref<10016xi32, #tpu.memory_space<vmem>>, vector<16xi32>, vector<16xi1>
        %swap3A_197 = arith.index_cast %while3A_162 : i32 to index
        %swap3A_198 = tpu.vector_load %arg19[%swap3A_197] masked %and3A_193 {strides = array<i32>} : memref<10016xf32, #tpu.memory_space<vmem>>, vector<16xf32>, vector<16xi1>
        tpu.vector_store %arg19[%swap3A_197], %sub3A_168 masked %and3A_193 {strides = array<i32>} : memref<10016xf32, #tpu.memory_space<vmem>>, vector<16xf32>, vector<16xi1>
        %swap3A_199 = arith.index_cast %while3A_162 : i32 to index
        %swap3A_200 = tpu.vector_load %arg20[%swap3A_199] masked %and3A_193 {strides = array<i32>} : memref<10016xf32, #tpu.memory_space<vmem>>, vector<16xf32>, vector<16xi1>
        tpu.vector_store %arg20[%swap3A_199], %sub3A_174 masked %and3A_193 {strides = array<i32>} : memref<10016xf32, #tpu.memory_space<vmem>>, vector<16xf32>, vector<16xi1>
        %swap3A_201 = arith.index_cast %while3A_162 : i32 to index
        %swap3A_202 = tpu.vector_load %arg21[%swap3A_201] masked %and3A_193 {strides = array<i32>} : memref<10016xf32, #tpu.memory_space<vmem>>, vector<16xf32>, vector<16xi1>
        tpu.vector_store %arg21[%swap3A_201], %sub3A_180 masked %and3A_193 {strides = array<i32>} : memref<10016xf32, #tpu.memory_space<vmem>>, vector<16xf32>, vector<16xi1>
        %all_reduce_population_count3A = tpu.all_reduce %and3A_193 {dim = 0 : i64, kind = #tpu.reduction_kind<sum>} : vector<16xi1> -> vector<16xi32>
        %slice3A_203 = vector.extract_strided_slice %all_reduce_population_count3A {offsets = [0], sizes = [1], strides = [1]} : vector<16xi32> to vector<1xi32>
        %squeeze3A_204 = vector.extract %slice3A_203[0] : i32 from vector<1xi32>
        %add3A_205 = arith.addi %while3A_162, %squeeze3A_204 : i32
        %min3A_206 = arith.constant 10000 : i32
        %min3A_207 = arith.minsi %add3A_205, %min3A_206 : i32
        scf.yield %min3A_207 : i32
      }
      %while3A_159 = arith.constant 1 : i32
      %while3A_160 = scf.for %while3A_161 = %while3A_156 to %while3A_152 step %while3A_159 iter_args(%while3A_162 = %while3A_158) -> (i32)  : i32 {
        %mul3A_163 = arith.constant 16 : i32
        %mul3A_164 = arith.muli %while3A_161, %mul3A_163 : i32
        %get3A_165 = arith.index_cast %mul3A_164 : i32 to index
        %get3A_166 = tpu.vector_load %arg12[%get3A_165] {strides = array<i32>} : memref<10000xf32, #tpu.memory_space<vmem>>, vector<16xf32>,
        %sub3A_167 = vector.broadcast %reduce_sum3A_75 : f32 to vector<16xf32>
        %sub3A_168 = arith.subf %get3A_166, %sub3A_167 : vector<16xf32>
        %mul3A_169 = arith.constant 16 : i32
        %mul3A_170 = arith.muli %while3A_161, %mul3A_169 : i32
        %get3A_171 = arith.index_cast %mul3A_170 : i32 to index
        %get3A_172 = tpu.vector_load %arg13[%get3A_171] {strides = array<i32>} : memref<10000xf32, #tpu.memory_space<vmem>>, vector<16xf32>,
        %sub3A_173 = vector.broadcast %reduce_sum3A_82 : f32 to vector<16xf32>
        %sub3A_174 = arith.subf %get3A_172, %sub3A_173 : vector<16xf32>
        %mul3A_175 = arith.constant 16 : i32
        %mul3A_176 = arith.muli %while3A_161, %mul3A_175 : i32
        %get3A_177 = arith.index_cast %mul3A_176 : i32 to index
        %get3A_178 = tpu.vector_load %arg14[%get3A_177] {strides = array<i32>} : memref<10000xf32, #tpu.memory_space<vmem>>, vector<16xf32>,
        %sub3A_179 = vector.broadcast %reduce_sum3A_89 : f32 to vector<16xf32>
        %sub3A_180 = arith.subf %get3A_178, %sub3A_179 : vector<16xf32>
        %mul3A_181 = arith.mulf %sub3A_168, %sub3A_168 : vector<16xf32>
        %mul3A_182 = arith.mulf %sub3A_174, %sub3A_174 : vector<16xf32>
        %add3A_183 = arith.addf %mul3A_181, %mul3A_182 : vector<16xf32>
        %mul3A_184 = arith.mulf %sub3A_180, %sub3A_180 : vector<16xf32>
        %add3A_185 = arith.addf %add3A_183, %mul3A_184 : vector<16xf32>
        %mul3A_186 = arith.constant 16 : i32
        %mul3A_187 = arith.muli %while3A_161, %mul3A_186 : i32
        %add3A_188 = vector.broadcast %mul3A_187 : i32 to vector<16xi32>
        %add3A_189 = arith.addi %iota3A, %add3A_188 : vector<16xi32>
        %lt3A = vector.broadcast %while3A : f32 to vector<16xf32>
        %lt3A_190 = arith.cmpf olt, %add3A_185, %lt3A : vector<16xf32>
        %ne3A_191 = vector.broadcast %add3A_48 : i32 to vector<16xi32>
        %ne3A_192 = arith.cmpi ne, %add3A_189, %ne3A_191 : vector<16xi32>
        %and3A_193 = arith.andi %lt3A_190, %ne3A_192 : vector<16xi1>
        %swap3A = arith.index_cast %while3A_162 : i32 to index
        %swap3A_194 = tpu.vector_load %arg17[%swap3A] masked %and3A_193 {strides = array<i32>} : memref<10016xi32, #tpu.memory_space<vmem>>, vector<16xi32>, vector<16xi1>
        tpu.vector_store %arg17[%swap3A], %add3A_189 masked %and3A_193 {strides = array<i32>} : memref<10016xi32, #tpu.memory_space<vmem>>, vector<16xi32>, vector<16xi1>
        %swap3A_195 = arith.index_cast %while3A_162 : i32 to index
        %swap3A_196 = tpu.vector_load %arg18[%swap3A_195] masked %and3A_193 {strides = array<i32>} : memref<10016xi32, #tpu.memory_space<vmem>>, vector<16xi32>, vector<16xi1>
        tpu.vector_store %arg18[%swap3A_195], %broadcast_in_dim3A_90 masked %and3A_193 {strides = array<i32>} : memref<10016xi32, #tpu.memory_space<vmem>>, vector<16xi32>, vector<16xi1>
        %swap3A_197 = arith.index_cast %while3A_162 : i32 to index
        %swap3A_198 = tpu.vector_load %arg19[%swap3A_197] masked %and3A_193 {strides = array<i32>} : memref<10016xf32, #tpu.memory_space<vmem>>, vector<16xf32>, vector<16xi1>
        tpu.vector_store %arg19[%swap3A_197], %sub3A_168 masked %and3A_193 {strides = array<i32>} : memref<10016xf32, #tpu.memory_space<vmem>>, vector<16xf32>, vector<16xi1>
        %swap3A_199 = arith.index_cast %while3A_162 : i32 to index
        %swap3A_200 = tpu.vector_load %arg20[%swap3A_199] masked %and3A_193 {strides = array<i32>} : memref<10016xf32, #tpu.memory_space<vmem>>, vector<16xf32>, vector<16xi1>
        tpu.vector_store %arg20[%swap3A_199], %sub3A_174 masked %and3A_193 {strides = array<i32>} : memref<10016xf32, #tpu.memory_space<vmem>>, vector<16xf32>, vector<16xi1>
        %swap3A_201 = arith.index_cast %while3A_162 : i32 to index
        %swap3A_202 = tpu.vector_load %arg21[%swap3A_201] masked %and3A_193 {strides = array<i32>} : memref<10016xf32, #tpu.memory_space<vmem>>, vector<16xf32>, vector<16xi1>
        tpu.vector_store %arg21[%swap3A_201], %sub3A_180 masked %and3A_193 {strides = array<i32>} : memref<10016xf32, #tpu.memory_space<vmem>>, vector<16xf32>, vector<16xi1>
        %all_reduce_population_count3A = tpu.all_reduce %and3A_193 {dim = 0 : i64, kind = #tpu.reduction_kind<sum>} : vector<16xi1> -> vector<16xi32>
        %slice3A_203 = vector.extract_strided_slice %all_reduce_population_count3A {offsets = [0], sizes = [1], strides = [1]} : vector<16xi32> to vector<1xi32>
        %squeeze3A_204 = vector.extract %slice3A_203[0] : i32 from vector<1xi32>
        %add3A_205 = arith.addi %while3A_162, %squeeze3A_204 : i32
        %min3A_206 = arith.constant 10000 : i32
        %min3A_207 = arith.minsi %add3A_205, %min3A_206 : i32
        scf.yield %min3A_207 : i32
      }
      scf.yield %while3A_160 : i32
    }
    %while3A_34 = arith.constant 1 : i32
    %while3A_35 = scf.for %while3A_46 = %while3A_31 to %while3A_27 step %while3A_34 iter_args(%while3A_47 = %while3A_33) -> (i32)  : i32 {
      %add3A_48 = arith.addi %mul3A_21, %while3A_46 : i32
      %jit3A = arith.constant 16 : i32
      %div3A = arith.divsi %add3A_48, %jit3A : i32
      %sign3A = arith.constant 0 : i32
      %sign3A_49 = arith.cmpi sgt, %add3A_48, %sign3A : i32
      %sign3A_50 = arith.extui %sign3A_49 : i1 to i32
      %sign3A_51 = arith.constant 0 : i32
      %sign3A_52 = arith.cmpi slt, %add3A_48, %sign3A_51 : i32
      %sign3A_53 = arith.extui %sign3A_52 : i1 to i32
      %sign3A_54 = arith.subi %sign3A_50, %sign3A_53 : i32
      %sign3A_55 = arith.constant 0 : i32
      %sign3A_56 = arith.cmpi sgt, %jit3A, %sign3A_55 : i32
      %sign3A_57 = arith.extui %sign3A_56 : i1 to i32
      %sign3A_58 = arith.constant 0 : i32
      %sign3A_59 = arith.cmpi slt, %jit3A, %sign3A_58 : i32
      %sign3A_60 = arith.extui %sign3A_59 : i1 to i32
      %sign3A_61 = arith.subi %sign3A_57, %sign3A_60 : i32
      %ne3A = arith.cmpi ne, %sign3A_54, %sign3A_61 : i32
      %rem3A = arith.remsi %add3A_48, %jit3A : i32
      %ne3A_62 = arith.constant 0 : i32
      %ne3A_63 = arith.cmpi ne, %rem3A, %ne3A_62 : i32
      %and3A = arith.andi %ne3A, %ne3A_63 : i1
      %sub3A_64 = arith.constant 1 : i32
      %sub3A_65 = arith.subi %div3A, %sub3A_64 : i32
      %select_n3A = arith.select %and3A, %sub3A_65, %div3A : i32
      %mul3A_66 = arith.constant 16 : i32
      %mul3A_67 = arith.muli %select_n3A, %mul3A_66 : i32
      %sub3A_68 = arith.subi %add3A_48, %mul3A_67 : i32
      %eq3A = vector.broadcast %sub3A_68 : i32 to vector<16xi32>
      %eq3A_69 = arith.cmpi eq, %iota3A, %eq3A : vector<16xi32>
      %convert_element_type3A = arith.extui %eq3A_69 : vector<16xi1> to vector<16xi32>
      %convert_element_type3A_70 = arith.sitofp %convert_element_type3A : vector<16xi32> to vector<16xf32>
      %get3A = arith.index_cast %mul3A_67 : i32 to index
      %get3A_71 = tpu.vector_load %arg12[%get3A] {strides = array<i32>} : memref<10000xf32, #tpu.memory_space<vmem>>, vector<16xf32>,
      %mul3A_72 = arith.mulf %get3A_71, %convert_element_type3A_70 : vector<16xf32>
      %reduce_sum3A = arith.constant true
      %reduce_sum3A_73 = vector.broadcast %reduce_sum3A : i1 to vector<16xi1>
      %reduce_sum3A_74 = tpu.scan <sum>, %mul3A_72 masked %reduce_sum3A_73 : vector<16xf32>, vector<16xi1> -> vector<16xf32>
      %reduce_sum3A_75 = vector.extract %reduce_sum3A_74[15] : f32 from vector<16xf32>
      %get3A_76 = arith.index_cast %mul3A_67 : i32 to index
      %get3A_77 = tpu.vector_load %arg13[%get3A_76] {strides = array<i32>} : memref<10000xf32, #tpu.memory_space<vmem>>, vector<16xf32>,
      %mul3A_78 = arith.mulf %get3A_77, %convert_element_type3A_70 : vector<16xf32>
      %reduce_sum3A_79 = arith.constant true
      %reduce_sum3A_80 = vector.broadcast %reduce_sum3A_79 : i1 to vector<16xi1>
      %reduce_sum3A_81 = tpu.scan <sum>, %mul3A_78 masked %reduce_sum3A_80 : vector<16xf32>, vector<16xi1> -> vector<16xf32>
      %reduce_sum3A_82 = vector.extract %reduce_sum3A_81[15] : f32 from vector<16xf32>
      %get3A_83 = arith.index_cast %mul3A_67 : i32 to index
      %get3A_84 = tpu.vector_load %arg14[%get3A_83] {strides = array<i32>} : memref<10000xf32, #tpu.memory_space<vmem>>, vector<16xf32>,
      %mul3A_85 = arith.mulf %get3A_84, %convert_element_type3A_70 : vector<16xf32>
      %reduce_sum3A_86 = arith.constant true
      %reduce_sum3A_87 = vector.broadcast %reduce_sum3A_86 : i1 to vector<16xi1>
      %reduce_sum3A_88 = tpu.scan <sum>, %mul3A_85 masked %reduce_sum3A_87 : vector<16xf32>, vector<16xi1> -> vector<16xf32>
      %reduce_sum3A_89 = vector.extract %reduce_sum3A_88[15] : f32 from vector<16xf32>
      %broadcast_in_dim3A_90 = vector.broadcast %add3A_48 : i32 to vector<16xi32>
      %mul3A_91 = arith.constant 16 : i32
      %mul3A_92 = arith.muli %while3A_46, %mul3A_91 : i32
      %get3A_93 = arith.index_cast %mul3A_92 : i32 to index
      %get3A_94 = tpu.vector_load %arg15[%get3A_93] {strides = array<i32>} : memref<5008xi32, #tpu.memory_space<vmem>>, vector<16xi32>,
      %slice3A = vector.extract_strided_slice %get3A_94 {offsets = [0], sizes = [1], strides = [1]} : vector<16xi32> to vector<1xi32>
      %squeeze3A = vector.extract %slice3A[0] : i32 from vector<1xi32>
      %jit3A_95 = arith.constant 16 : i32
      %div3A_96 = arith.divsi %squeeze3A, %jit3A_95 : i32
      %sign3A_97 = arith.constant 0 : i32
      %sign3A_98 = arith.cmpi sgt, %squeeze3A, %sign3A_97 : i32
      %sign3A_99 = arith.extui %sign3A_98 : i1 to i32
      %sign3A_100 = arith.constant 0 : i32
      %sign3A_101 = arith.cmpi slt, %squeeze3A, %sign3A_100 : i32
      %sign3A_102 = arith.extui %sign3A_101 : i1 to i32
      %sign3A_103 = arith.subi %sign3A_99, %sign3A_102 : i32
      %sign3A_104 = arith.constant 0 : i32
      %sign3A_105 = arith.cmpi sgt, %jit3A_95, %sign3A_104 : i32
      %sign3A_106 = arith.extui %sign3A_105 : i1 to i32
      %sign3A_107 = arith.constant 0 : i32
      %sign3A_108 = arith.cmpi slt, %jit3A_95, %sign3A_107 : i32
      %sign3A_109 = arith.extui %sign3A_108 : i1 to i32
      %sign3A_110 = arith.subi %sign3A_106, %sign3A_109 : i32
      %ne3A_111 = arith.cmpi ne, %sign3A_103, %sign3A_110 : i32
      %rem3A_112 = arith.remsi %squeeze3A, %jit3A_95 : i32
      %ne3A_113 = arith.constant 0 : i32
      %ne3A_114 = arith.cmpi ne, %rem3A_112, %ne3A_113 : i32
      %and3A_115 = arith.andi %ne3A_111, %ne3A_114 : i1
      %sub3A_116 = arith.constant 1 : i32
      %sub3A_117 = arith.subi %div3A_96, %sub3A_116 : i32
      %select_n3A_118 = arith.select %and3A_115, %sub3A_117, %div3A_96 : i32
      %mul3A_119 = arith.constant 16 : i32
      %mul3A_120 = arith.muli %while3A_46, %mul3A_119 : i32
      %get3A_121 = arith.index_cast %mul3A_120 : i32 to index
      %get3A_122 = tpu.vector_load %arg16[%get3A_121] {strides = array<i32>} : memref<5008xi32, #tpu.memory_space<vmem>>, vector<16xi32>,
      %slice3A_123 = vector.extract_strided_slice %get3A_122 {offsets = [0], sizes = [1], strides = [1]} : vector<16xi32> to vector<1xi32>
      %squeeze3A_124 = vector.extract %slice3A_123[0] : i32 from vector<1xi32>
      %add3A_125 = arith.constant 15 : i32
      %add3A_126 = arith.addi %squeeze3A_124, %add3A_125 : i32
      %jit3A_127 = arith.constant 16 : i32
      %div3A_128 = arith.divsi %add3A_126, %jit3A_127 : i32
      %sign3A_129 = arith.constant 0 : i32
      %sign3A_130 = arith.cmpi sgt, %add3A_126, %sign3A_129 : i32
      %sign3A_131 = arith.extui %sign3A_130 : i1 to i32
      %sign3A_132 = arith.constant 0 : i32
      %sign3A_133 = arith.cmpi slt, %add3A_126, %sign3A_132 : i32
      %sign3A_134 = arith.extui %sign3A_133 : i1 to i32
      %sign3A_135 = arith.subi %sign3A_131, %sign3A_134 : i32
      %sign3A_136 = arith.constant 0 : i32
      %sign3A_137 = arith.cmpi sgt, %jit3A_127, %sign3A_136 : i32
      %sign3A_138 = arith.extui %sign3A_137 : i1 to i32
      %sign3A_139 = arith.constant 0 : i32
      %sign3A_140 = arith.cmpi slt, %jit3A_127, %sign3A_139 : i32
      %sign3A_141 = arith.extui %sign3A_140 : i1 to i32
      %sign3A_142 = arith.subi %sign3A_138, %sign3A_141 : i32
      %ne3A_143 = arith.cmpi ne, %sign3A_135, %sign3A_142 : i32
      %rem3A_144 = arith.remsi %add3A_126, %jit3A_127 : i32
      %ne3A_145 = arith.constant 0 : i32
      %ne3A_146 = arith.cmpi ne, %rem3A_144, %ne3A_145 : i32
      %and3A_147 = arith.andi %ne3A_143, %ne3A_146 : i1
      %sub3A_148 = arith.constant 1 : i32
      %sub3A_149 = arith.subi %div3A_128, %sub3A_148 : i32
      %select_n3A_150 = arith.select %and3A_147, %sub3A_149, %div3A_128 : i32
      %while3A_151 = arith.subi %select_n3A_150, %select_n3A_118 : i32
      %while3A_152 = arith.addi %select_n3A_118, %while3A_151 : i32
      %while3A_153 = arith.constant 1 : i32
      %while3A_154 = arith.divsi %while3A_151, %while3A_153 : i32
      %while3A_155 = arith.muli %while3A_154, %while3A_153 : i32
      %while3A_156 = arith.addi %select_n3A_118, %while3A_155 : i32
      %while3A_157 = arith.constant 1 : i32
      %while3A_158 = scf.for %while3A_161 = %select_n3A_118 to %while3A_156 step %while3A_157 iter_args(%while3A_162 = %while3A_47) -> (i32)  : i32 {
        %mul3A_163 = arith.constant 16 : i32
        %mul3A_164 = arith.muli %while3A_161, %mul3A_163 : i32
        %get3A_165 = arith.index_cast %mul3A_164 : i32 to index
        %get3A_166 = tpu.vector_load %arg12[%get3A_165] {strides = array<i32>} : memref<10000xf32, #tpu.memory_space<vmem>>, vector<16xf32>,
        %sub3A_167 = vector.broadcast %reduce_sum3A_75 : f32 to vector<16xf32>
        %sub3A_168 = arith.subf %get3A_166, %sub3A_167 : vector<16xf32>
        %mul3A_169 = arith.constant 16 : i32
        %mul3A_170 = arith.muli %while3A_161, %mul3A_169 : i32
        %get3A_171 = arith.index_cast %mul3A_170 : i32 to index
        %get3A_172 = tpu.vector_load %arg13[%get3A_171] {strides = array<i32>} : memref<10000xf32, #tpu.memory_space<vmem>>, vector<16xf32>,
        %sub3A_173 = vector.broadcast %reduce_sum3A_82 : f32 to vector<16xf32>
        %sub3A_174 = arith.subf %get3A_172, %sub3A_173 : vector<16xf32>
        %mul3A_175 = arith.constant 16 : i32
        %mul3A_176 = arith.muli %while3A_161, %mul3A_175 : i32
        %get3A_177 = arith.index_cast %mul3A_176 : i32 to index
        %get3A_178 = tpu.vector_load %arg14[%get3A_177] {strides = array<i32>} : memref<10000xf32, #tpu.memory_space<vmem>>, vector<16xf32>,
        %sub3A_179 = vector.broadcast %reduce_sum3A_89 : f32 to vector<16xf32>
        %sub3A_180 = arith.subf %get3A_178, %sub3A_179 : vector<16xf32>
        %mul3A_181 = arith.mulf %sub3A_168, %sub3A_168 : vector<16xf32>
        %mul3A_182 = arith.mulf %sub3A_174, %sub3A_174 : vector<16xf32>
        %add3A_183 = arith.addf %mul3A_181, %mul3A_182 : vector<16xf32>
        %mul3A_184 = arith.mulf %sub3A_180, %sub3A_180 : vector<16xf32>
        %add3A_185 = arith.addf %add3A_183, %mul3A_184 : vector<16xf32>
        %mul3A_186 = arith.constant 16 : i32
        %mul3A_187 = arith.muli %while3A_161, %mul3A_186 : i32
        %add3A_188 = vector.broadcast %mul3A_187 : i32 to vector<16xi32>
        %add3A_189 = arith.addi %iota3A, %add3A_188 : vector<16xi32>
        %lt3A = vector.broadcast %while3A : f32 to vector<16xf32>
        %lt3A_190 = arith.cmpf olt, %add3A_185, %lt3A : vector<16xf32>
        %ne3A_191 = vector.broadcast %add3A_48 : i32 to vector<16xi32>
        %ne3A_192 = arith.cmpi ne, %add3A_189, %ne3A_191 : vector<16xi32>
        %and3A_193 = arith.andi %lt3A_190, %ne3A_192 : vector<16xi1>
        %swap3A = arith.index_cast %while3A_162 : i32 to index
        %swap3A_194 = tpu.vector_load %arg17[%swap3A] masked %and3A_193 {strides = array<i32>} : memref<10016xi32, #tpu.memory_space<vmem>>, vector<16xi32>, vector<16xi1>
        tpu.vector_store %arg17[%swap3A], %add3A_189 masked %and3A_193 {strides = array<i32>} : memref<10016xi32, #tpu.memory_space<vmem>>, vector<16xi32>, vector<16xi1>
        %swap3A_195 = arith.index_cast %while3A_162 : i32 to index
        %swap3A_196 = tpu.vector_load %arg18[%swap3A_195] masked %and3A_193 {strides = array<i32>} : memref<10016xi32, #tpu.memory_space<vmem>>, vector<16xi32>, vector<16xi1>
        tpu.vector_store %arg18[%swap3A_195], %broadcast_in_dim3A_90 masked %and3A_193 {strides = array<i32>} : memref<10016xi32, #tpu.memory_space<vmem>>, vector<16xi32>, vector<16xi1>
        %swap3A_197 = arith.index_cast %while3A_162 : i32 to index
        %swap3A_198 = tpu.vector_load %arg19[%swap3A_197] masked %and3A_193 {strides = array<i32>} : memref<10016xf32, #tpu.memory_space<vmem>>, vector<16xf32>, vector<16xi1>
        tpu.vector_store %arg19[%swap3A_197], %sub3A_168 masked %and3A_193 {strides = array<i32>} : memref<10016xf32, #tpu.memory_space<vmem>>, vector<16xf32>, vector<16xi1>
        %swap3A_199 = arith.index_cast %while3A_162 : i32 to index
        %swap3A_200 = tpu.vector_load %arg20[%swap3A_199] masked %and3A_193 {strides = array<i32>} : memref<10016xf32, #tpu.memory_space<vmem>>, vector<16xf32>, vector<16xi1>
        tpu.vector_store %arg20[%swap3A_199], %sub3A_174 masked %and3A_193 {strides = array<i32>} : memref<10016xf32, #tpu.memory_space<vmem>>, vector<16xf32>, vector<16xi1>
        %swap3A_201 = arith.index_cast %while3A_162 : i32 to index
        %swap3A_202 = tpu.vector_load %arg21[%swap3A_201] masked %and3A_193 {strides = array<i32>} : memref<10016xf32, #tpu.memory_space<vmem>>, vector<16xf32>, vector<16xi1>
        tpu.vector_store %arg21[%swap3A_201], %sub3A_180 masked %and3A_193 {strides = array<i32>} : memref<10016xf32, #tpu.memory_space<vmem>>, vector<16xf32>, vector<16xi1>
        %all_reduce_population_count3A = tpu.all_reduce %and3A_193 {dim = 0 : i64, kind = #tpu.reduction_kind<sum>} : vector<16xi1> -> vector<16xi32>
        %slice3A_203 = vector.extract_strided_slice %all_reduce_population_count3A {offsets = [0], sizes = [1], strides = [1]} : vector<16xi32> to vector<1xi32>
        %squeeze3A_204 = vector.extract %slice3A_203[0] : i32 from vector<1xi32>
        %add3A_205 = arith.addi %while3A_162, %squeeze3A_204 : i32
        %min3A_206 = arith.constant 10000 : i32
        %min3A_207 = arith.minsi %add3A_205, %min3A_206 : i32
        scf.yield %min3A_207 : i32
      }
      %while3A_159 = arith.constant 1 : i32
      %while3A_160 = scf.for %while3A_161 = %while3A_156 to %while3A_152 step %while3A_159 iter_args(%while3A_162 = %while3A_158) -> (i32)  : i32 {
        %mul3A_163 = arith.constant 16 : i32
        %mul3A_164 = arith.muli %while3A_161, %mul3A_163 : i32
        %get3A_165 = arith.index_cast %mul3A_164 : i32 to index
        %get3A_166 = tpu.vector_load %arg12[%get3A_165] {strides = array<i32>} : memref<10000xf32, #tpu.memory_space<vmem>>, vector<16xf32>,
        %sub3A_167 = vector.broadcast %reduce_sum3A_75 : f32 to vector<16xf32>
        %sub3A_168 = arith.subf %get3A_166, %sub3A_167 : vector<16xf32>
        %mul3A_169 = arith.constant 16 : i32
        %mul3A_170 = arith.muli %while3A_161, %mul3A_169 : i32
        %get3A_171 = arith.index_cast %mul3A_170 : i32 to index
        %get3A_172 = tpu.vector_load %arg13[%get3A_171] {strides = array<i32>} : memref<10000xf32, #tpu.memory_space<vmem>>, vector<16xf32>,
        %sub3A_173 = vector.broadcast %reduce_sum3A_82 : f32 to vector<16xf32>
        %sub3A_174 = arith.subf %get3A_172, %sub3A_173 : vector<16xf32>
        %mul3A_175 = arith.constant 16 : i32
        %mul3A_176 = arith.muli %while3A_161, %mul3A_175 : i32
        %get3A_177 = arith.index_cast %mul3A_176 : i32 to index
        %get3A_178 = tpu.vector_load %arg14[%get3A_177] {strides = array<i32>} : memref<10000xf32, #tpu.memory_space<vmem>>, vector<16xf32>,
        %sub3A_179 = vector.broadcast %reduce_sum3A_89 : f32 to vector<16xf32>
        %sub3A_180 = arith.subf %get3A_178, %sub3A_179 : vector<16xf32>
        %mul3A_181 = arith.mulf %sub3A_168, %sub3A_168 : vector<16xf32>
        %mul3A_182 = arith.mulf %sub3A_174, %sub3A_174 : vector<16xf32>
        %add3A_183 = arith.addf %mul3A_181, %mul3A_182 : vector<16xf32>
        %mul3A_184 = arith.mulf %sub3A_180, %sub3A_180 : vector<16xf32>
        %add3A_185 = arith.addf %add3A_183, %mul3A_184 : vector<16xf32>
        %mul3A_186 = arith.constant 16 : i32
        %mul3A_187 = arith.muli %while3A_161, %mul3A_186 : i32
        %add3A_188 = vector.broadcast %mul3A_187 : i32 to vector<16xi32>
        %add3A_189 = arith.addi %iota3A, %add3A_188 : vector<16xi32>
        %lt3A = vector.broadcast %while3A : f32 to vector<16xf32>
        %lt3A_190 = arith.cmpf olt, %add3A_185, %lt3A : vector<16xf32>
        %ne3A_191 = vector.broadcast %add3A_48 : i32 to vector<16xi32>
        %ne3A_192 = arith.cmpi ne, %add3A_189, %ne3A_191 : vector<16xi32>
        %and3A_193 = arith.andi %lt3A_190, %ne3A_192 : vector<16xi1>
        %swap3A = arith.index_cast %while3A_162 : i32 to index
        %swap3A_194 = tpu.vector_load %arg17[%swap3A] masked %and3A_193 {strides = array<i32>} : memref<10016xi32, #tpu.memory_space<vmem>>, vector<16xi32>, vector<16xi1>
        tpu.vector_store %arg17[%swap3A], %add3A_189 masked %and3A_193 {strides = array<i32>} : memref<10016xi32, #tpu.memory_space<vmem>>, vector<16xi32>, vector<16xi1>
        %swap3A_195 = arith.index_cast %while3A_162 : i32 to index
        %swap3A_196 = tpu.vector_load %arg18[%swap3A_195] masked %and3A_193 {strides = array<i32>} : memref<10016xi32, #tpu.memory_space<vmem>>, vector<16xi32>, vector<16xi1>
        tpu.vector_store %arg18[%swap3A_195], %broadcast_in_dim3A_90 masked %and3A_193 {strides = array<i32>} : memref<10016xi32, #tpu.memory_space<vmem>>, vector<16xi32>, vector<16xi1>
        %swap3A_197 = arith.index_cast %while3A_162 : i32 to index
        %swap3A_198 = tpu.vector_load %arg19[%swap3A_197] masked %and3A_193 {strides = array<i32>} : memref<10016xf32, #tpu.memory_space<vmem>>, vector<16xf32>, vector<16xi1>
        tpu.vector_store %arg19[%swap3A_197], %sub3A_168 masked %and3A_193 {strides = array<i32>} : memref<10016xf32, #tpu.memory_space<vmem>>, vector<16xf32>, vector<16xi1>
        %swap3A_199 = arith.index_cast %while3A_162 : i32 to index
        %swap3A_200 = tpu.vector_load %arg20[%swap3A_199] masked %and3A_193 {strides = array<i32>} : memref<10016xf32, #tpu.memory_space<vmem>>, vector<16xf32>, vector<16xi1>
        tpu.vector_store %arg20[%swap3A_199], %sub3A_174 masked %and3A_193 {strides = array<i32>} : memref<10016xf32, #tpu.memory_space<vmem>>, vector<16xf32>, vector<16xi1>
        %swap3A_201 = arith.index_cast %while3A_162 : i32 to index
        %swap3A_202 = tpu.vector_load %arg21[%swap3A_201] masked %and3A_193 {strides = array<i32>} : memref<10016xf32, #tpu.memory_space<vmem>>, vector<16xf32>, vector<16xi1>
        tpu.vector_store %arg21[%swap3A_201], %sub3A_180 masked %and3A_193 {strides = array<i32>} : memref<10016xf32, #tpu.memory_space<vmem>>, vector<16xf32>, vector<16xi1>
        %all_reduce_population_count3A = tpu.all_reduce %and3A_193 {dim = 0 : i64, kind = #tpu.reduction_kind<sum>} : vector<16xi1> -> vector<16xi32>
        %slice3A_203 = vector.extract_strided_slice %all_reduce_population_count3A {offsets = [0], sizes = [1], strides = [1]} : vector<16xi32> to vector<1xi32>
        %squeeze3A_204 = vector.extract %slice3A_203[0] : i32 from vector<1xi32>
        %add3A_205 = arith.addi %while3A_162, %squeeze3A_204 : i32
        %min3A_206 = arith.constant 10000 : i32
        %min3A_207 = arith.minsi %add3A_205, %min3A_206 : i32
        scf.yield %min3A_207 : i32
      }
      scf.yield %while3A_160 : i32
    }
    %mul3A_36 = arith.constant 10000 : i32
    %mul3A_37 = arith.muli %add3A, %mul3A_36 : i32
    "tpu.region"() ({
      %run_scoped3A = tpu.sem_alloc : memref<!tpu.dma_semaphore, #tpu.memory_space<semaphore_mem>>
      %dma_start3A = arith.constant 0 : i32
      %dma_start3A_46 = tpu.memref_slice %arg17[%dma_start3A] : memref<10016xi32, #tpu.memory_space<vmem>> -> memref<10000xi32, #tpu.memory_space<vmem>>
      %dma_start3A_47 = tpu.memref_slice %arg7[%mul3A_37] : memref<320000xi32, #tpu.memory_space<hbm>> -> memref<10000xi32, #tpu.memory_space<hbm>>
      %dma_start3A_48 = tpu.memref_slice %arg7[%mul3A_37] : memref<320000xi32, #tpu.memory_space<hbm>> -> memref<10000xi32, #tpu.memory_space<hbm>>
      %dma_start3A_49 = arith.constant 0 : i32
      %dma_start3A_50 = tpu.memref_slice %arg17[%dma_start3A_49] : memref<10016xi32, #tpu.memory_space<vmem>> -> memref<10000xi32, #tpu.memory_space<vmem>>
      tpu.enqueue_dma source(%dma_start3A_50 : memref<10000xi32, #tpu.memory_space<vmem>>) target(%dma_start3A_48 : memref<10000xi32, #tpu.memory_space<hbm>>) target_semaphore(%run_scoped3A : memref<!tpu.dma_semaphore, #tpu.memory_space<semaphore_mem>>)
      %dma_wait3A = arith.constant 0 : i32
      %dma_wait3A_51 = tpu.memref_slice %arg17[%dma_wait3A] : memref<10016xi32, #tpu.memory_space<vmem>> -> memref<10000xi32, #tpu.memory_space<vmem>>
      %dma_wait3A_52 = tpu.memref_slice %arg7[%mul3A_37] : memref<320000xi32, #tpu.memory_space<hbm>> -> memref<10000xi32, #tpu.memory_space<hbm>>
      %dma_wait3A_53 = tpu.memref_slice %arg7[%mul3A_37] : memref<320000xi32, #tpu.memory_space<hbm>> -> memref<10000xi32, #tpu.memory_space<hbm>>
      %dma_wait3A_54 = arith.constant 0 : i32
      %dma_wait3A_55 = tpu.memref_slice %arg17[%dma_wait3A_54] : memref<10016xi32, #tpu.memory_space<vmem>> -> memref<10000xi32, #tpu.memory_space<vmem>>
      tpu.wait_dma2 semaphore(%run_scoped3A : memref<!tpu.dma_semaphore, #tpu.memory_space<semaphore_mem>>) src(%dma_wait3A_55 : memref<10000xi32, #tpu.memory_space<vmem>>) dst(%dma_wait3A_53 : memref<10000xi32, #tpu.memory_space<hbm>>)
      tpu.yield
    }) : () -> ()
    %mul3A_38 = arith.constant 10000 : i32
    %mul3A_39 = arith.muli %add3A, %mul3A_38 : i32
    "tpu.region"() ({
      %run_scoped3A = tpu.sem_alloc : memref<!tpu.dma_semaphore, #tpu.memory_space<semaphore_mem>>
      %dma_start3A = arith.constant 0 : i32
      %dma_start3A_46 = tpu.memref_slice %arg18[%dma_start3A] : memref<10016xi32, #tpu.memory_space<vmem>> -> memref<10000xi32, #tpu.memory_space<vmem>>
      %dma_start3A_47 = tpu.memref_slice %arg8[%mul3A_39] : memref<320000xi32, #tpu.memory_space<hbm>> -> memref<10000xi32, #tpu.memory_space<hbm>>
      %dma_start3A_48 = tpu.memref_slice %arg8[%mul3A_39] : memref<320000xi32, #tpu.memory_space<hbm>> -> memref<10000xi32, #tpu.memory_space<hbm>>
      %dma_start3A_49 = arith.constant 0 : i32
      %dma_start3A_50 = tpu.memref_slice %arg18[%dma_start3A_49] : memref<10016xi32, #tpu.memory_space<vmem>> -> memref<10000xi32, #tpu.memory_space<vmem>>
      tpu.enqueue_dma source(%dma_start3A_50 : memref<10000xi32, #tpu.memory_space<vmem>>) target(%dma_start3A_48 : memref<10000xi32, #tpu.memory_space<hbm>>) target_semaphore(%run_scoped3A : memref<!tpu.dma_semaphore, #tpu.memory_space<semaphore_mem>>)
      %dma_wait3A = arith.constant 0 : i32
      %dma_wait3A_51 = tpu.memref_slice %arg18[%dma_wait3A] : memref<10016xi32, #tpu.memory_space<vmem>> -> memref<10000xi32, #tpu.memory_space<vmem>>
      %dma_wait3A_52 = tpu.memref_slice %arg8[%mul3A_39] : memref<320000xi32, #tpu.memory_space<hbm>> -> memref<10000xi32, #tpu.memory_space<hbm>>
      %dma_wait3A_53 = tpu.memref_slice %arg8[%mul3A_39] : memref<320000xi32, #tpu.memory_space<hbm>> -> memref<10000xi32, #tpu.memory_space<hbm>>
      %dma_wait3A_54 = arith.constant 0 : i32
      %dma_wait3A_55 = tpu.memref_slice %arg18[%dma_wait3A_54] : memref<10016xi32, #tpu.memory_space<vmem>> -> memref<10000xi32, #tpu.memory_space<vmem>>
      tpu.wait_dma2 semaphore(%run_scoped3A : memref<!tpu.dma_semaphore, #tpu.memory_space<semaphore_mem>>) src(%dma_wait3A_55 : memref<10000xi32, #tpu.memory_space<vmem>>) dst(%dma_wait3A_53 : memref<10000xi32, #tpu.memory_space<hbm>>)
      tpu.yield
    }) : () -> ()
    %mul3A_40 = arith.constant 10000 : i32
    %mul3A_41 = arith.muli %add3A, %mul3A_40 : i32
    "tpu.region"() ({
      %run_scoped3A = tpu.sem_alloc : memref<!tpu.dma_semaphore, #tpu.memory_space<semaphore_mem>>
      %dma_start3A = arith.constant 0 : i32
      %dma_start3A_46 = tpu.memref_slice %arg19[%dma_start3A] : memref<10016xf32, #tpu.memory_space<vmem>> -> memref<10000xf32, #tpu.memory_space<vmem>>
      %dma_start3A_47 = tpu.memref_slice %arg9[%mul3A_41] : memref<320000xf32, #tpu.memory_space<hbm>> -> memref<10000xf32, #tpu.memory_space<hbm>>
      %dma_start3A_48 = tpu.memref_slice %arg9[%mul3A_41] : memref<320000xf32, #tpu.memory_space<hbm>> -> memref<10000xf32, #tpu.memory_space<hbm>>
      %dma_start3A_49 = arith.constant 0 : i32
      %dma_start3A_50 = tpu.memref_slice %arg19[%dma_start3A_49] : memref<10016xf32, #tpu.memory_space<vmem>> -> memref<10000xf32, #tpu.memory_space<vmem>>
      tpu.enqueue_dma source(%dma_start3A_50 : memref<10000xf32, #tpu.memory_space<vmem>>) target(%dma_start3A_48 : memref<10000xf32, #tpu.memory_space<hbm>>) target_semaphore(%run_scoped3A : memref<!tpu.dma_semaphore, #tpu.memory_space<semaphore_mem>>)
      %dma_wait3A = arith.constant 0 : i32
      %dma_wait3A_51 = tpu.memref_slice %arg19[%dma_wait3A] : memref<10016xf32, #tpu.memory_space<vmem>> -> memref<10000xf32, #tpu.memory_space<vmem>>
      %dma_wait3A_52 = tpu.memref_slice %arg9[%mul3A_41] : memref<320000xf32, #tpu.memory_space<hbm>> -> memref<10000xf32, #tpu.memory_space<hbm>>
      %dma_wait3A_53 = tpu.memref_slice %arg9[%mul3A_41] : memref<320000xf32, #tpu.memory_space<hbm>> -> memref<10000xf32, #tpu.memory_space<hbm>>
      %dma_wait3A_54 = arith.constant 0 : i32
      %dma_wait3A_55 = tpu.memref_slice %arg19[%dma_wait3A_54] : memref<10016xf32, #tpu.memory_space<vmem>> -> memref<10000xf32, #tpu.memory_space<vmem>>
      tpu.wait_dma2 semaphore(%run_scoped3A : memref<!tpu.dma_semaphore, #tpu.memory_space<semaphore_mem>>) src(%dma_wait3A_55 : memref<10000xf32, #tpu.memory_space<vmem>>) dst(%dma_wait3A_53 : memref<10000xf32, #tpu.memory_space<hbm>>)
      tpu.yield
    }) : () -> ()
    %mul3A_42 = arith.constant 10000 : i32
    %mul3A_43 = arith.muli %add3A, %mul3A_42 : i32
    "tpu.region"() ({
      %run_scoped3A = tpu.sem_alloc : memref<!tpu.dma_semaphore, #tpu.memory_space<semaphore_mem>>
      %dma_start3A = arith.constant 0 : i32
      %dma_start3A_46 = tpu.memref_slice %arg20[%dma_start3A] : memref<10016xf32, #tpu.memory_space<vmem>> -> memref<10000xf32, #tpu.memory_space<vmem>>
      %dma_start3A_47 = tpu.memref_slice %arg10[%mul3A_43] : memref<320000xf32, #tpu.memory_space<hbm>> -> memref<10000xf32, #tpu.memory_space<hbm>>
      %dma_start3A_48 = tpu.memref_slice %arg10[%mul3A_43] : memref<320000xf32, #tpu.memory_space<hbm>> -> memref<10000xf32, #tpu.memory_space<hbm>>
      %dma_start3A_49 = arith.constant 0 : i32
      %dma_start3A_50 = tpu.memref_slice %arg20[%dma_start3A_49] : memref<10016xf32, #tpu.memory_space<vmem>> -> memref<10000xf32, #tpu.memory_space<vmem>>
      tpu.enqueue_dma source(%dma_start3A_50 : memref<10000xf32, #tpu.memory_space<vmem>>) target(%dma_start3A_48 : memref<10000xf32, #tpu.memory_space<hbm>>) target_semaphore(%run_scoped3A : memref<!tpu.dma_semaphore, #tpu.memory_space<semaphore_mem>>)
      %dma_wait3A = arith.constant 0 : i32
      %dma_wait3A_51 = tpu.memref_slice %arg20[%dma_wait3A] : memref<10016xf32, #tpu.memory_space<vmem>> -> memref<10000xf32, #tpu.memory_space<vmem>>
      %dma_wait3A_52 = tpu.memref_slice %arg10[%mul3A_43] : memref<320000xf32, #tpu.memory_space<hbm>> -> memref<10000xf32, #tpu.memory_space<hbm>>
      %dma_wait3A_53 = tpu.memref_slice %arg10[%mul3A_43] : memref<320000xf32, #tpu.memory_space<hbm>> -> memref<10000xf32, #tpu.memory_space<hbm>>
      %dma_wait3A_54 = arith.constant 0 : i32
      %dma_wait3A_55 = tpu.memref_slice %arg20[%dma_wait3A_54] : memref<10016xf32, #tpu.memory_space<vmem>> -> memref<10000xf32, #tpu.memory_space<vmem>>
      tpu.wait_dma2 semaphore(%run_scoped3A : memref<!tpu.dma_semaphore, #tpu.memory_space<semaphore_mem>>) src(%dma_wait3A_55 : memref<10000xf32, #tpu.memory_space<vmem>>) dst(%dma_wait3A_53 : memref<10000xf32, #tpu.memory_space<hbm>>)
      tpu.yield
    }) : () -> ()
    %mul3A_44 = arith.constant 10000 : i32
    %mul3A_45 = arith.muli %add3A, %mul3A_44 : i32
    "tpu.region"() ({
      %run_scoped3A = tpu.sem_alloc : memref<!tpu.dma_semaphore, #tpu.memory_space<semaphore_mem>>
      %dma_start3A = arith.constant 0 : i32
      %dma_start3A_46 = tpu.memref_slice %arg21[%dma_start3A] : memref<10016xf32, #tpu.memory_space<vmem>> -> memref<10000xf32, #tpu.memory_space<vmem>>
      %dma_start3A_47 = tpu.memref_slice %arg11[%mul3A_45] : memref<320000xf32, #tpu.memory_space<hbm>> -> memref<10000xf32, #tpu.memory_space<hbm>>
      %dma_start3A_48 = tpu.memref_slice %arg11[%mul3A_45] : memref<320000xf32, #tpu.memory_space<hbm>> -> memref<10000xf32, #tpu.memory_space<hbm>>
      %dma_start3A_49 = arith.constant 0 : i32
      %dma_start3A_50 = tpu.memref_slice %arg21[%dma_start3A_49] : memref<10016xf32, #tpu.memory_space<vmem>> -> memref<10000xf32, #tpu.memory_space<vmem>>
      tpu.enqueue_dma source(%dma_start3A_50 : memref<10000xf32, #tpu.memory_space<vmem>>) target(%dma_start3A_48 : memref<10000xf32, #tpu.memory_space<hbm>>) target_semaphore(%run_scoped3A : memref<!tpu.dma_semaphore, #tpu.memory_space<semaphore_mem>>)
      %dma_wait3A = arith.constant 0 : i32
      %dma_wait3A_51 = tpu.memref_slice %arg21[%dma_wait3A] : memref<10016xf32, #tpu.memory_space<vmem>> -> memref<10000xf32, #tpu.memory_space<vmem>>
      %dma_wait3A_52 = tpu.memref_slice %arg11[%mul3A_45] : memref<320000xf32, #tpu.memory_space<hbm>> -> memref<10000xf32, #tpu.memory_space<hbm>>
      %dma_wait3A_53 = tpu.memref_slice %arg11[%mul3A_45] : memref<320000xf32, #tpu.memory_space<hbm>> -> memref<10000xf32, #tpu.memory_space<hbm>>
      %dma_wait3A_54 = arith.constant 0 : i32
      %dma_wait3A_55 = tpu.memref_slice %arg21[%dma_wait3A_54] : memref<10016xf32, #tpu.memory_space<vmem>> -> memref<10000xf32, #tpu.memory_space<vmem>>
      tpu.wait_dma2 semaphore(%run_scoped3A : memref<!tpu.dma_semaphore, #tpu.memory_space<semaphore_mem>>) src(%dma_wait3A_55 : memref<10000xf32, #tpu.memory_space<vmem>>) dst(%dma_wait3A_53 : memref<10000xf32, #tpu.memory_space<hbm>>)
      tpu.yield
    }) : () -> ()
    return
  }
}

module attributes {stable_mosaic.version = 14 : i64} {
  func.func @_edge_block_kernel(%arg0: i32, %arg1: i32, %arg2: memref<2000x1xf32, #tpu.memory_space<vmem>>, %arg3: memref<2000x1xf32, #tpu.memory_space<vmem>>, %arg4: memref<2000x1xf32, #tpu.memory_space<vmem>>, %arg5: memref<2000x128xbf16, #tpu.memory_space<vmem>>, %arg6: memref<2000x1xi32, #tpu.memory_space<vmem>>, %arg7: memref<3x200xf32, #tpu.memory_space<vmem>>, %arg8: memref<1x200xf32, #tpu.memory_space<vmem>>, %arg9: memref<200x200xf32, #tpu.memory_space<vmem>>, %arg10: memref<1x200xf32, #tpu.memory_space<vmem>>, %arg11: memref<200x512xf32, #tpu.memory_space<vmem>>, %arg12: memref<1x512xf32, #tpu.memory_space<vmem>>, %arg13: memref<1x384x128xf32, #tpu.memory_space<vmem>>) attributes {dimension_semantics = [#tpu.dimension_semantics<parallel>, #tpu.dimension_semantics<arbitrary>], iteration_bounds = array<i64: 32, 5>, scalar_prefetch = 0 : i64, scratch_operands = 0 : i64, tpu.core_type = #tpu.core_type<tc>, window_params = [{transform_indices = @transform_0, window_bounds = array<i64: 2000, 1>}, {transform_indices = @transform_1, window_bounds = array<i64: 2000, 1>}, {transform_indices = @transform_2, window_bounds = array<i64: 2000, 1>}, {transform_indices = @transform_3, window_bounds = array<i64: 2000, 128>}, {transform_indices = @transform_4, window_bounds = array<i64: 2000, 1>}, {pipeline_mode = #tpu.pipeline_mode<synchronous>, transform_indices = @transform_5, window_bounds = array<i64: 3, 200>}, {pipeline_mode = #tpu.pipeline_mode<synchronous>, transform_indices = @transform_6, window_bounds = array<i64: 1, 200>}, {pipeline_mode = #tpu.pipeline_mode<synchronous>, transform_indices = @transform_7, window_bounds = array<i64: 200, 200>}, {pipeline_mode = #tpu.pipeline_mode<synchronous>, transform_indices = @transform_8, window_bounds = array<i64: 1, 200>}, {pipeline_mode = #tpu.pipeline_mode<synchronous>, transform_indices = @transform_9, window_bounds = array<i64: 200, 512>}, {pipeline_mode = #tpu.pipeline_mode<synchronous>, transform_indices = @transform_10, window_bounds = array<i64: 1, 512>}, {transform_indices = @transform_11, window_bounds = array<i64: 1, 384, 128>}]} {
    %get3A = arith.constant 0 : index
    %get3A_0 = arith.constant 0 : index
    %get3A_1 = vector.load %arg2[%get3A, %get3A_0] : memref<2000x1xf32, #tpu.memory_space<vmem>>, vector<2000x1xf32>
    %get3A_2 = arith.constant 0 : index
    %get3A_3 = arith.constant 0 : index
    %get3A_4 = vector.load %arg3[%get3A_2, %get3A_3] : memref<2000x1xf32, #tpu.memory_space<vmem>>, vector<2000x1xf32>
    %get3A_5 = arith.constant 0 : index
    %get3A_6 = arith.constant 0 : index
    %get3A_7 = vector.load %arg4[%get3A_5, %get3A_6] : memref<2000x1xf32, #tpu.memory_space<vmem>>, vector<2000x1xf32>
    %mul3A = arith.mulf %get3A_1, %get3A_1 : vector<2000x1xf32>
    %mul3A_8 = arith.mulf %get3A_4, %get3A_4 : vector<2000x1xf32>
    %add3A = arith.addf %mul3A, %mul3A_8 : vector<2000x1xf32>
    %mul3A_9 = arith.mulf %get3A_7, %get3A_7 : vector<2000x1xf32>
    %add3A_10 = arith.addf %add3A, %mul3A_9 : vector<2000x1xf32>
    %sqrt3A = math.sqrt %add3A_10 : vector<2000x1xf32>
    %max3A = arith.constant 9.99999971E-10 : f32
    %max3A_11 = vector.broadcast %max3A : f32 to vector<2000x1xf32>
    %max3A_12 = arith.maximumf %sqrt3A, %max3A_11 : vector<2000x1xf32>
    %div3A = arith.constant 0.387298346 : f32
    %div3A_13 = vector.broadcast %div3A : f32 to vector<2000x1xf32>
    %div3A_14 = arith.divf %div3A_13, %max3A_12 : vector<2000x1xf32>
    %mul3A_15 = arith.mulf %get3A_1, %div3A_14 : vector<2000x1xf32>
    %mul3A_16 = arith.mulf %get3A_4, %div3A_14 : vector<2000x1xf32>
    %mul3A_17 = arith.mulf %get3A_7, %div3A_14 : vector<2000x1xf32>
    %iota3A = tpu.iota {dimensions = array<i32: 1>} : vector<1x3xi32>
    %convert_element_type3A = arith.sitofp %iota3A : vector<1x3xi32> to vector<1x3xf32>
    %mul3A_18 = arith.constant 4.000000e-02 : f32
    %mul3A_19 = vector.broadcast %mul3A_18 : f32 to vector<1x3xf32>
    %mul3A_20 = arith.mulf %convert_element_type3A, %mul3A_19 : vector<1x3xf32>
    %sub3A = vector.broadcast %sqrt3A : vector<2000x1xf32> to vector<2000x3xf32>
    %sub3A_21 = vector.broadcast %mul3A_20 : vector<1x3xf32> to vector<2000x3xf32>
    %sub3A_22 = arith.subf %sub3A, %sub3A_21 : vector<2000x3xf32>
    %integer_pow3A = arith.mulf %sub3A_22, %sub3A_22 : vector<2000x3xf32>
    %neg3A = arith.constant 0.000000e+00 : f32
    %neg3A_23 = vector.broadcast %neg3A : f32 to vector<2000x3xf32>
    %neg3A_24 = arith.subf %neg3A_23, %integer_pow3A : vector<2000x3xf32>
    %div3A_25 = arith.constant 1.152000e-03 : f32
    %div3A_26 = vector.broadcast %div3A_25 : f32 to vector<2000x3xf32>
    %div3A_27 = arith.divf %neg3A_24, %div3A_26 : vector<2000x3xf32>
    %exp3A = math.exp %div3A_27 : vector<2000x3xf32>
    %get3A_28 = arith.constant 0 : index
    %get3A_29 = arith.constant 0 : index
    %get3A_30 = vector.load %arg7[%get3A_28, %get3A_29] : memref<3x200xf32, #tpu.memory_space<vmem>>, vector<3x200xf32>
    %dot_general3A = arith.constant dense<0.000000e+00> : vector<2000x200xf32>
    %dot_general3A_31 = tpu.matmul %exp3A, %get3A_30, %dot_general3A {dimension_numbers = #tpu.dot_dimension_numbers<[1], [0], [0], [1], [0, 0, 1, 1], [], []>, transpose_lhs_hint = false} : vector<2000x3xf32>, vector<3x200xf32>, vector<2000x200xf32> -> vector<2000x200xf32>
    %get3A_32 = arith.constant 0 : index
    %get3A_33 = arith.constant 0 : index
    %get3A_34 = vector.load %arg8[%get3A_32, %get3A_33] : memref<1x200xf32, #tpu.memory_space<vmem>>, vector<1x200xf32>
    %add3A_35 = vector.broadcast %get3A_34 : vector<1x200xf32> to vector<2000x200xf32>
    %add3A_36 = arith.addf %dot_general3A_31, %add3A_35 : vector<2000x200xf32>
    %logistic3A = arith.negf %add3A_36 : vector<2000x200xf32>
    %logistic3A_37 = math.exp %logistic3A : vector<2000x200xf32>
    %logistic3A_38 = arith.constant 1.000000e+00 : f32
    %logistic3A_39 = vector.broadcast %logistic3A_38 : f32 to vector<2000x200xf32>
    %logistic3A_40 = arith.addf %logistic3A_39, %logistic3A_37 : vector<2000x200xf32>
    %logistic3A_41 = arith.divf %logistic3A_39, %logistic3A_40 : vector<2000x200xf32>
    %mul3A_42 = arith.mulf %add3A_36, %logistic3A_41 : vector<2000x200xf32>
    %get3A_43 = arith.constant 0 : index
    %get3A_44 = arith.constant 0 : index
    %get3A_45 = vector.load %arg9[%get3A_43, %get3A_44] : memref<200x200xf32, #tpu.memory_space<vmem>>, vector<200x200xf32>
    %dot_general3A_46 = arith.constant dense<0.000000e+00> : vector<2000x200xf32>
    %dot_general3A_47 = tpu.matmul %mul3A_42, %get3A_45, %dot_general3A_46 {dimension_numbers = #tpu.dot_dimension_numbers<[1], [0], [0], [1], [0, 0, 1, 1], [], []>, transpose_lhs_hint = false} : vector<2000x200xf32>, vector<200x200xf32>, vector<2000x200xf32> -> vector<2000x200xf32>
    %get3A_48 = arith.constant 0 : index
    %get3A_49 = arith.constant 0 : index
    %get3A_50 = vector.load %arg10[%get3A_48, %get3A_49] : memref<1x200xf32, #tpu.memory_space<vmem>>, vector<1x200xf32>
    %add3A_51 = vector.broadcast %get3A_50 : vector<1x200xf32> to vector<2000x200xf32>
    %add3A_52 = arith.addf %dot_general3A_47, %add3A_51 : vector<2000x200xf32>
    %logistic3A_53 = arith.negf %add3A_52 : vector<2000x200xf32>
    %logistic3A_54 = math.exp %logistic3A_53 : vector<2000x200xf32>
    %logistic3A_55 = arith.constant 1.000000e+00 : f32
    %logistic3A_56 = vector.broadcast %logistic3A_55 : f32 to vector<2000x200xf32>
    %logistic3A_57 = arith.addf %logistic3A_56, %logistic3A_54 : vector<2000x200xf32>
    %logistic3A_58 = arith.divf %logistic3A_56, %logistic3A_57 : vector<2000x200xf32>
    %mul3A_59 = arith.mulf %add3A_52, %logistic3A_58 : vector<2000x200xf32>
    %get3A_60 = arith.constant 0 : index
    %get3A_61 = arith.constant 0 : index
    %get3A_62 = vector.load %arg11[%get3A_60, %get3A_61] : memref<200x512xf32, #tpu.memory_space<vmem>>, vector<200x512xf32>
    %dot_general3A_63 = arith.constant dense<0.000000e+00> : vector<2000x512xf32>
    %dot_general3A_64 = tpu.matmul %mul3A_59, %get3A_62, %dot_general3A_63 {dimension_numbers = #tpu.dot_dimension_numbers<[1], [0], [0], [1], [0, 0, 1, 1], [], []>, transpose_lhs_hint = false} : vector<2000x200xf32>, vector<200x512xf32>, vector<2000x512xf32> -> vector<2000x512xf32>
    %get3A_65 = arith.constant 0 : index
    %get3A_66 = arith.constant 0 : index
    %get3A_67 = vector.load %arg12[%get3A_65, %get3A_66] : memref<1x512xf32, #tpu.memory_space<vmem>>, vector<1x512xf32>
    %add3A_68 = vector.broadcast %get3A_67 : vector<1x512xf32> to vector<2000x512xf32>
    %add3A_69 = arith.addf %dot_general3A_64, %add3A_68 : vector<2000x512xf32>
    %slice3A = vector.extract_strided_slice %add3A_69 {offsets = [0, 0], sizes = [2000, 128], strides = [1, 1]} : vector<2000x512xf32> to vector<2000x128xf32>
    %slice3A_70 = vector.extract_strided_slice %add3A_69 {offsets = [0, 128], sizes = [2000, 128], strides = [1, 1]} : vector<2000x512xf32> to vector<2000x128xf32>
    %slice3A_71 = vector.extract_strided_slice %add3A_69 {offsets = [0, 256], sizes = [2000, 128], strides = [1, 1]} : vector<2000x512xf32> to vector<2000x128xf32>
    %slice3A_72 = vector.extract_strided_slice %add3A_69 {offsets = [0, 384], sizes = [2000, 128], strides = [1, 1]} : vector<2000x512xf32> to vector<2000x128xf32>
    %get3A_73 = arith.constant 0 : index
    %get3A_74 = arith.constant 0 : index
    %get3A_75 = vector.load %arg5[%get3A_73, %get3A_74] : memref<2000x128xbf16, #tpu.memory_space<vmem>>, vector<2000x128xbf16>
    %convert_element_type3A_76 = arith.extf %get3A_75 : vector<2000x128xbf16> to vector<2000x128xf32>
    %roll3A = arith.constant 96 : i32
    %roll3A_77 = tpu.dynamic_rotate %convert_element_type3A_76 by %roll3A dim 1 : vector<2000x128xf32>, i32 -> vector<2000x128xf32>
    %roll3A_78 = arith.constant 64 : i32
    %roll3A_79 = tpu.dynamic_rotate %convert_element_type3A_76 by %roll3A_78 dim 1 : vector<2000x128xf32>, i32 -> vector<2000x128xf32>
    %roll3A_80 = arith.constant 32 : i32
    %roll3A_81 = tpu.dynamic_rotate %convert_element_type3A_76 by %roll3A_80 dim 1 : vector<2000x128xf32>, i32 -> vector<2000x128xf32>
    %iota3A_82 = tpu.iota {dimensions = array<i32: 1>} : vector<1x128xi32>
    %jit3A = arith.constant 32 : i32
    %div3A_83 = vector.broadcast %jit3A : i32 to vector<1x128xi32>
    %div3A_84 = arith.divsi %iota3A_82, %div3A_83 : vector<1x128xi32>
    %sign3A = arith.constant 0 : i32
    %sign3A_85 = vector.broadcast %sign3A : i32 to vector<1x128xi32>
    %sign3A_86 = arith.cmpi sgt, %iota3A_82, %sign3A_85 : vector<1x128xi32>
    %sign3A_87 = arith.extui %sign3A_86 : vector<1x128xi1> to vector<1x128xi32>
    %sign3A_88 = arith.constant 0 : i32
    %sign3A_89 = vector.broadcast %sign3A_88 : i32 to vector<1x128xi32>
    %sign3A_90 = arith.cmpi slt, %iota3A_82, %sign3A_89 : vector<1x128xi32>
    %sign3A_91 = arith.extui %sign3A_90 : vector<1x128xi1> to vector<1x128xi32>
    %sign3A_92 = arith.subi %sign3A_87, %sign3A_91 : vector<1x128xi32>
    %sign3A_93 = arith.constant 0 : i32
    %sign3A_94 = arith.cmpi sgt, %jit3A, %sign3A_93 : i32
    %sign3A_95 = arith.extui %sign3A_94 : i1 to i32
    %sign3A_96 = arith.constant 0 : i32
    %sign3A_97 = arith.cmpi slt, %jit3A, %sign3A_96 : i32
    %sign3A_98 = arith.extui %sign3A_97 : i1 to i32
    %sign3A_99 = arith.subi %sign3A_95, %sign3A_98 : i32
    %ne3A = vector.broadcast %sign3A_99 : i32 to vector<1x128xi32>
    %ne3A_100 = arith.cmpi ne, %sign3A_92, %ne3A : vector<1x128xi32>
    %rem3A = vector.broadcast %jit3A : i32 to vector<1x128xi32>
    %rem3A_101 = arith.remsi %iota3A_82, %rem3A : vector<1x128xi32>
    %ne3A_102 = arith.constant 0 : i32
    %ne3A_103 = vector.broadcast %ne3A_102 : i32 to vector<1x128xi32>
    %ne3A_104 = arith.cmpi ne, %rem3A_101, %ne3A_103 : vector<1x128xi32>
    %and3A = arith.andi %ne3A_100, %ne3A_104 : vector<1x128xi1>
    %sub3A_105 = arith.constant 1 : i32
    %sub3A_106 = vector.broadcast %sub3A_105 : i32 to vector<1x128xi32>
    %sub3A_107 = arith.subi %div3A_84, %sub3A_106 : vector<1x128xi32>
    %select_n3A = arith.select %and3A, %sub3A_107, %div3A_84 : vector<1x128xi1>, vector<1x128xi32>
    %jit3A_108 = arith.constant 2 : i32
    %eq3A = arith.constant 0 : i32
    %eq3A_109 = arith.cmpi eq, %jit3A_108, %eq3A : i32
    %jit3A_110 = arith.constant 1 : i32
    %select_n3A_111 = arith.select %eq3A_109, %jit3A_110, %jit3A_108 : i32
    %rem3A_112 = vector.broadcast %select_n3A_111 : i32 to vector<1x128xi32>
    %rem3A_113 = arith.remsi %select_n3A, %rem3A_112 : vector<1x128xi32>
    %ne3A_114 = arith.constant 0 : i32
    %ne3A_115 = vector.broadcast %ne3A_114 : i32 to vector<1x128xi32>
    %ne3A_116 = arith.cmpi ne, %rem3A_113, %ne3A_115 : vector<1x128xi32>
    %lt3A = arith.constant 0 : i32
    %lt3A_117 = vector.broadcast %lt3A : i32 to vector<1x128xi32>
    %lt3A_118 = arith.cmpi slt, %rem3A_113, %lt3A_117 : vector<1x128xi32>
    %lt3A_119 = arith.constant 0 : i32
    %lt3A_120 = arith.cmpi slt, %select_n3A_111, %lt3A_119 : i32
    %ne3A_121 = vector.broadcast %lt3A_120 : i1 to vector<1x128xi1>
    %ne3A_122 = vector.broadcast %ne3A_121 : vector<1x128xi1> to vector<1x128xi1>
    %ne3A_123 = arith.xori %lt3A_118, %ne3A_122 : vector<1x128xi1>
    %and3A_124 = arith.andi %ne3A_123, %ne3A_116 : vector<1x128xi1>
    %add3A_125 = vector.broadcast %select_n3A_111 : i32 to vector<1x128xi32>
    %add3A_126 = arith.addi %rem3A_113, %add3A_125 : vector<1x128xi32>
    %select_n3A_127 = arith.select %and3A_124, %add3A_126, %rem3A_113 : vector<1x128xi1>, vector<1x128xi32>
    %eq3A_128 = arith.constant 0 : i32
    %eq3A_129 = vector.broadcast %eq3A_128 : i32 to vector<1x128xi32>
    %eq3A_130 = arith.cmpi eq, %select_n3A_127, %eq3A_129 : vector<1x128xi32>
    %broadcast_in_dim3A = vector.shape_cast %eq3A_130 : vector<1x128xi1> to vector<1x128xi1>
    %broadcast_in_dim3A_131 = vector.broadcast %broadcast_in_dim3A : vector<1x128xi1> to vector<2000x128xi1>
    %broadcast_in_dim3A_132 = vector.shape_cast %mul3A_15 : vector<2000x1xf32> to vector<2000x1xf32>
    %broadcast_in_dim3A_133 = vector.broadcast %broadcast_in_dim3A_132 : vector<2000x1xf32> to vector<2000x128xf32>
    %broadcast_in_dim3A_134 = vector.shape_cast %mul3A_17 : vector<2000x1xf32> to vector<2000x1xf32>
    %broadcast_in_dim3A_135 = vector.broadcast %broadcast_in_dim3A_134 : vector<2000x1xf32> to vector<2000x128xf32>
    %select_n3A_136 = arith.select %broadcast_in_dim3A_131, %broadcast_in_dim3A_133, %broadcast_in_dim3A_135 : vector<2000x128xi1>, vector<2000x128xf32>
    %broadcast_in_dim3A_137 = vector.shape_cast %eq3A_130 : vector<1x128xi1> to vector<1x128xi1>
    %broadcast_in_dim3A_138 = vector.broadcast %broadcast_in_dim3A_137 : vector<1x128xi1> to vector<2000x128xi1>
    %broadcast_in_dim3A_139 = vector.shape_cast %mul3A_17 : vector<2000x1xf32> to vector<2000x1xf32>
    %broadcast_in_dim3A_140 = vector.broadcast %broadcast_in_dim3A_139 : vector<2000x1xf32> to vector<2000x128xf32>
    %broadcast_in_dim3A_141 = vector.shape_cast %mul3A_15 : vector<2000x1xf32> to vector<2000x1xf32>
    %broadcast_in_dim3A_142 = vector.broadcast %broadcast_in_dim3A_141 : vector<2000x1xf32> to vector<2000x128xf32>
    %select_n3A_143 = arith.select %broadcast_in_dim3A_138, %broadcast_in_dim3A_140, %broadcast_in_dim3A_142 : vector<2000x128xi1>, vector<2000x128xf32>
    %mul3A_144 = arith.mulf %slice3A, %convert_element_type3A_76 : vector<2000x128xf32>
    %mul3A_145 = arith.mulf %slice3A_70, %select_n3A_136 : vector<2000x128xf32>
    %mul3A_146 = arith.mulf %mul3A_145, %roll3A_77 : vector<2000x128xf32>
    %add3A_147 = arith.addf %mul3A_144, %mul3A_146 : vector<2000x128xf32>
    %mul3A_148 = vector.broadcast %mul3A_16 : vector<2000x1xf32> to vector<2000x128xf32>
    %mul3A_149 = arith.mulf %mul3A_148, %roll3A_79 : vector<2000x128xf32>
    %mul3A_150 = arith.mulf %slice3A_71, %mul3A_149 : vector<2000x128xf32>
    %add3A_151 = arith.addf %add3A_147, %mul3A_150 : vector<2000x128xf32>
    %mul3A_152 = arith.mulf %slice3A_72, %select_n3A_143 : vector<2000x128xf32>
    %mul3A_153 = arith.mulf %mul3A_152, %roll3A_81 : vector<2000x128xf32>
    %add3A_154 = arith.addf %add3A_151, %mul3A_153 : vector<2000x128xf32>
    %get3A_155 = arith.constant 0 : index
    %get3A_156 = arith.constant 0 : index
    %get3A_157 = vector.load %arg6[%get3A_155, %get3A_156] : memref<2000x1xi32, #tpu.memory_space<vmem>>, vector<2000x1xi32>
    %mul3A_158 = arith.constant 313 : i32
    %mul3A_159 = arith.muli %arg0, %mul3A_158 : i32
    %sub3A_160 = vector.broadcast %mul3A_159 : i32 to vector<2000x1xi32>
    %sub3A_161 = arith.subi %get3A_157, %sub3A_160 : vector<2000x1xi32>
    %iota3A_162 = tpu.iota {dimensions = array<i32: 1>} : vector<1x384xi32>
    %eq3A_163 = vector.broadcast %sub3A_161 : vector<2000x1xi32> to vector<2000x384xi32>
    %eq3A_164 = vector.broadcast %iota3A_162 : vector<1x384xi32> to vector<2000x384xi32>
    %eq3A_165 = arith.cmpi eq, %eq3A_163, %eq3A_164 : vector<2000x384xi32>
    %convert_element_type3A_166 = arith.extui %eq3A_165 : vector<2000x384xi1> to vector<2000x384xi32>
    %convert_element_type3A_167 = arith.sitofp %convert_element_type3A_166 : vector<2000x384xi32> to vector<2000x384xf32>
    %convert_element_type3A_168 = arith.truncf %convert_element_type3A_167 : vector<2000x384xf32> to vector<2000x384xbf16>
    %convert_element_type3A_169 = arith.truncf %add3A_154 : vector<2000x128xf32> to vector<2000x128xbf16>
    %dot_general3A_170 = arith.constant dense<0.000000e+00> : vector<384x128xf32>
    %dot_general3A_171 = tpu.matmul %convert_element_type3A_168, %convert_element_type3A_169, %dot_general3A_170 {dimension_numbers = #tpu.dot_dimension_numbers<[0], [0], [1], [1], [0, 1, 1, 1], [], []>, transpose_lhs_hint = false} : vector<2000x384xbf16>, vector<2000x128xbf16>, vector<384x128xf32> -> vector<384x128xf32>
    %eq3A_172 = arith.constant 0 : i32
    %eq3A_173 = arith.cmpi eq, %arg1, %eq3A_172 : i32
    %convert_element_type3A_174 = arith.extui %eq3A_173 : i1 to i32
    %cond3A = arith.constant 0 : i32
    %cond3A_175 = arith.cmpi ne, %convert_element_type3A_174, %cond3A : i32
    scf.if %cond3A_175 {
      %broadcast_in_dim3A_180 = vector.shape_cast %dot_general3A_171 : vector<384x128xf32> to vector<1x384x128xf32>
      %swap3A = arith.constant 0 : index
      %swap3A_181 = arith.constant 0 : index
      %swap3A_182 = arith.constant 0 : index
      %swap3A_183 = vector.load %arg13[%swap3A, %swap3A_181, %swap3A_182] : memref<1x384x128xf32, #tpu.memory_space<vmem>>, vector<1x384x128xf32>
      tpu.vector_store %arg13[%swap3A, %swap3A_181, %swap3A_182], %broadcast_in_dim3A_180 {strides = array<i32>} : memref<1x384x128xf32, #tpu.memory_space<vmem>>, vector<1x384x128xf32>,
    } else {
    }
    %gt3A = arith.constant 0 : i32
    %gt3A_176 = arith.cmpi sgt, %arg1, %gt3A : i32
    %convert_element_type3A_177 = arith.extui %gt3A_176 : i1 to i32
    %cond3A_178 = arith.constant 0 : i32
    %cond3A_179 = arith.cmpi ne, %convert_element_type3A_177, %cond3A_178 : i32
    scf.if %cond3A_179 {
      %get3A_180 = arith.constant 0 : index
      %get3A_181 = arith.constant 0 : index
      %get3A_182 = arith.constant 0 : index
      %get3A_183 = vector.load %arg13[%get3A_180, %get3A_181, %get3A_182] : memref<1x384x128xf32, #tpu.memory_space<vmem>>, vector<1x384x128xf32>
      %broadcast_in_dim3A_184 = vector.shape_cast %dot_general3A_171 : vector<384x128xf32> to vector<1x384x128xf32>
      %add3A_185 = arith.addf %get3A_183, %broadcast_in_dim3A_184 : vector<1x384x128xf32>
      %swap3A = arith.constant 0 : index
      %swap3A_186 = arith.constant 0 : index
      %swap3A_187 = arith.constant 0 : index
      %swap3A_188 = vector.load %arg13[%swap3A, %swap3A_186, %swap3A_187] : memref<1x384x128xf32, #tpu.memory_space<vmem>>, vector<1x384x128xf32>
      tpu.vector_store %arg13[%swap3A, %swap3A_186, %swap3A_187], %add3A_185 {strides = array<i32>} : memref<1x384x128xf32, #tpu.memory_space<vmem>>, vector<1x384x128xf32>,
    } else {
    }
    return
  }
  func.func @transform_0(%arg0: i32, %arg1: i32) -> (i32, i32) {
    %mul3A = arith.constant 5 : i32
    %mul3A_0 = arith.muli %arg0, %mul3A : i32
    %add3A = arith.addi %mul3A_0, %arg1 : i32
    %c0_i32 = arith.constant 0 : i32
    %c0_i32_1 = arith.constant 0 : i32
    return %add3A, %c0_i32 : i32, i32
  }
  func.func @transform_1(%arg0: i32, %arg1: i32) -> (i32, i32) {
    %mul3A = arith.constant 5 : i32
    %mul3A_0 = arith.muli %arg0, %mul3A : i32
    %add3A = arith.addi %mul3A_0, %arg1 : i32
    %c0_i32 = arith.constant 0 : i32
    %c0_i32_1 = arith.constant 0 : i32
    return %add3A, %c0_i32 : i32, i32
  }
  func.func @transform_2(%arg0: i32, %arg1: i32) -> (i32, i32) {
    %mul3A = arith.constant 5 : i32
    %mul3A_0 = arith.muli %arg0, %mul3A : i32
    %add3A = arith.addi %mul3A_0, %arg1 : i32
    %c0_i32 = arith.constant 0 : i32
    %c0_i32_1 = arith.constant 0 : i32
    return %add3A, %c0_i32 : i32, i32
  }
  func.func @transform_3(%arg0: i32, %arg1: i32) -> (i32, i32) {
    %mul3A = arith.constant 5 : i32
    %mul3A_0 = arith.muli %arg0, %mul3A : i32
    %add3A = arith.addi %mul3A_0, %arg1 : i32
    %c0_i32 = arith.constant 0 : i32
    %c0_i32_1 = arith.constant 0 : i32
    return %add3A, %c0_i32 : i32, i32
  }
  func.func @transform_4(%arg0: i32, %arg1: i32) -> (i32, i32) {
    %mul3A = arith.constant 5 : i32
    %mul3A_0 = arith.muli %arg0, %mul3A : i32
    %add3A = arith.addi %mul3A_0, %arg1 : i32
    %c0_i32 = arith.constant 0 : i32
    %c0_i32_1 = arith.constant 0 : i32
    return %add3A, %c0_i32 : i32, i32
  }
  func.func @transform_5(%arg0: i32, %arg1: i32) -> (i32, i32) {
    %c0_i32 = arith.constant 0 : i32
    %c0_i32_0 = arith.constant 0 : i32
    %c0_i32_1 = arith.constant 0 : i32
    return %c0_i32, %c0_i32_0 : i32, i32
  }
  func.func @transform_6(%arg0: i32, %arg1: i32) -> (i32, i32) {
    %c0_i32 = arith.constant 0 : i32
    %c0_i32_0 = arith.constant 0 : i32
    %c0_i32_1 = arith.constant 0 : i32
    return %c0_i32, %c0_i32_0 : i32, i32
  }
  func.func @transform_7(%arg0: i32, %arg1: i32) -> (i32, i32) {
    %c0_i32 = arith.constant 0 : i32
    %c0_i32_0 = arith.constant 0 : i32
    %c0_i32_1 = arith.constant 0 : i32
    return %c0_i32, %c0_i32_0 : i32, i32
  }
  func.func @transform_8(%arg0: i32, %arg1: i32) -> (i32, i32) {
    %c0_i32 = arith.constant 0 : i32
    %c0_i32_0 = arith.constant 0 : i32
    %c0_i32_1 = arith.constant 0 : i32
    return %c0_i32, %c0_i32_0 : i32, i32
  }
  func.func @transform_9(%arg0: i32, %arg1: i32) -> (i32, i32) {
    %c0_i32 = arith.constant 0 : i32
    %c0_i32_0 = arith.constant 0 : i32
    %c0_i32_1 = arith.constant 0 : i32
    return %c0_i32, %c0_i32_0 : i32, i32
  }
  func.func @transform_10(%arg0: i32, %arg1: i32) -> (i32, i32) {
    %c0_i32 = arith.constant 0 : i32
    %c0_i32_0 = arith.constant 0 : i32
    %c0_i32_1 = arith.constant 0 : i32
    return %c0_i32, %c0_i32_0 : i32, i32
  }
  func.func @transform_11(%arg0: i32, %arg1: i32) -> (i32, i32, i32) {
    %c0_i32 = arith.constant 0 : i32
    %c0_i32_0 = arith.constant 0 : i32
    %c0_i32_1 = arith.constant 0 : i32
    return %arg0, %c0_i32, %c0_i32_0 : i32, i32, i32
  }
}

</mosaic_0001>

<sc_bundles>
// kernel: gather_offload_async_start.1
scs
__scs_entry_jumppad:
0x0: {  	(pc) =	sbr.rel $0x88, $3  }
0x1: {  	(tag) =	ssettag $0x0;
	lr =	simm.s32 $0x1  }
0x2: {  	[smem:$0x3F86] =	sst lr;
	_ =	strace $0xD0000000  }
0x3: {  	_ = 	snop  }
0x4: {  	_ = 	snop  }
0x5: {  	_ = 	snop  }
0x6: {  	_ = 	snop  }
0x7: {  	_ = 	snop  }
__scs_overlays_trampoline_lowered:
0x8: {  	[smem:$0x3F95] =	sst s0  }
0x9: {  	[smem:$0x3F96] =	sst s1  }
0xa: {  	[smem:$0x3F97] =	sst s2  }
0xb: {  	[smem:$0x3F98] =	sst s3  }
0xc: {  	[smem:$0x3F99] =	sst s4  }
0xd: {  	[smem:$0x3F9A] =	sst s5  }
0xe: {  	[smem:$0x3F9B] =	sst s6  }
0xf: {  	[smem:$0x3F9C] =	sst s7  }
0x10: {  	[smem:$0x3F9D] =	sst s8  }
0x11: {  	[smem:$0x3F9E] =	sst s9;
	s0 =	simm.s32 @!p0 $0x0  }
0x12: {  	s1 =	sld [smem:$0x3F84];
	s0 =	simm.s32 @p0 $0x1  }
0x13: {  	[smem:$0x3F9F] =	sst s0;
	s0 =	simm.s32 @!p1 $0x0  }
0x14: {  	s2 =	sld [smem:$0x3F83];
	s0 =	simm.s32 @p1 $0x1  }
0x15: {  	[smem:$0x3FA0] =	sst s0;
	s0 =	simm.s32 @!p2 $0x0  }
0x16: {  	s3 =	sld [smem:$0x3FDB];
	s0 =	simm.s32 @p2 $0x1  }
0x17: {  	s4 =	simm.s32 $0x1BF5;
	[smem:$0x3FA2] =	sst s0  }
0x18: {  	s0 =	sld [smem:$0x3F85];
	_ =	swait.ge [sflag:s4], $0x0  }
0x19: {  	s7 =	sld [smem:$0x3F86]  }
0x1a: {  	s8 =	sadd.s32 $0xFFFFE003, lr  }
0x1b: {  	s9 =	sadd.s32 $0xFFFFFEF7, lr;
	s5 =	simm.s32 $0xFFFFFFFF;
	p2 =	slt.u32 s8, $0xFFFFF086  }
0x1c: {  	p1 =	slt.u32 s9, $0xF7A;
	s5 =	simm.s32 @!p2 $0x0  }
0x1d: {  	s5 =	simm.s32 @p1 $0x1;
	p0 =	seq.s32 s7, s2  }
0x1e: {  	s7 =	smul.u32 @!p0 $0xF7A, s2;
	p2 =	seq.s32 @!p0 s5, $0x0  }
0x1f: {  	s9 =	smul.u32 $0xF7A, s1;
	s8 =	simm.s32 @!p0 $0x1BF5;
	p2 =	por !p2, p0  }
0x20: {  	[sflag:s8] =	ssyncset.s32 @!p0 $0xFFFFF086;
	s6 =	sadd.s32 @!p0 s3, s7;
	s7 =	simm.s32 @!p0 $0x108  }
0x21: {  	s3 =	sadd.s32 s3, s9;
	s6 =	sadd.s32 @!p0 $0x88, s6;
	s7 =	simm.s32 @p2 $0x1082  }
0x22: {  	[simem:s7], [sflag:s8] =	dma.local @!p0 [hbm:s6], $0xF7A  }
0x23: {  	s9 =	sor.u32 $0xD0000000, s2;
	s6 =	simm.s32 $0x108;
	_ =	swait.ge @!p0 [sflag:s8], $0x0  }
0x24: {  	s3 =	sadd.s32 $0x88, s3;
	s6 =	simm.s32 @!p1 $0x1082;
	[sflag:s4] =	ssyncset.s32 $0xFFFFF086  }
0x25: {  	[simem:s6], [sflag:s4] =	dma.local [hbm:s3], $0xF7A  }
0x26: {  	[smem:$0x3F86] =	sst s1;
	(tag) =	ssettag s2;
	_ =	strace s9  }
0x27: {  	s1 =	sld [smem:$0x3F96]  }
0x28: {  	s2 =	sld [smem:$0x3F97]  }
0x29: {  	s4 =	sld [smem:$0x3F99]  }
0x2a: {  	p0 =	seq.s32 s5, $0x0;
	s5 =	sld [smem:$0x3F9A]  }
0x2b: {  	s6 =	sld [smem:$0x3F9B]  }
0x2c: {  	s7 =	sld [smem:$0x3F9C]  }
0x2d: {  	s3 =	simm.s32 $0x108;
	s8 =	sld [smem:$0x3F9D]  }
0x2e: {  	s3 =	simm.s32 @!p0 $0x1082;
	s9 =	sld [smem:$0x3F9E]  }
0x2f: {  	lr =	sadd.s32 s0, s3;
	s0 =	sld [smem:$0x3F95]  }
0x30: {  	s3 =	sld [smem:$0x3F98]  }
0x31: {  	[smem:$0x3FA1] =	sst s10  }
0x32: {  	s10 =	sld [smem:$0x3F9F];
	_ =	sdelay $0x3  }
0x33: {  	p0 =	seq.s32 s10, $0x1;
	s10 =	sld [smem:$0x3FA1];
	_ =	sdelay $0x3  }
0x34: {  	[smem:$0x3FA1] =	sst s10  }
0x35: {  	s10 =	sld [smem:$0x3FA0];
	_ =	sdelay $0x3  }
0x36: {  	p1 =	seq.s32 s10, $0x1;
	s10 =	sld [smem:$0x3FA1];
	_ =	sdelay $0x3  }
0x37: {  	[smem:$0x3FA1] =	sst s10  }
0x38: {  	s10 =	sld [smem:$0x3FA2]  }
0x39: {  	_ = 	snop;
	(pc) =	sbr.ind lr, $3  }
0x3a: {  	_ = 	snop  }
0x3b: {  	_ = 	snop  }
0x3c: {  	p2 =	seq.s32 s10, $0x1;
	s10 =	sld [smem:$0x3FA1]  }
0x3d: {  	_ =	shalt  }
0x3e: {  	_ =	shalt  }
0x3f: {  	_ =	shalt  }
0x40: {  	_ =	shalt  }
0x41: {  	_ =	shalt  }
0x42: {  	_ =	shalt  }
0x43: {  	_ =	shalt  }
0x44: {  	_ =	shalt  }
0x45: {  	_ =	shalt  }
0x46: {  	_ =	shalt  }
0x47: {  	_ =	shalt  }
0x48: {  	_ =	shalt  }
0x49: {  	_ =	shalt  }
0x4a: {  	_ =	shalt  }
0x4b: {  	_ =	shalt  }
0x4c: {  	_ =	shalt  }
0x4d: {  	_ =	shalt  }
0x4e: {  	_ =	shalt  }
0x4f: {  	_ =	shalt  }
0x50: {  	_ =	shalt  }
0x51: {  	_ =	shalt  }
0x52: {  	_ =	shalt  }
0x53: {  	_ =	shalt  }
0x54: {  	_ =	shalt  }
0x55: {  	_ =	shalt  }
0x56: {  	_ =	shalt  }
0x57: {  	_ =	shalt  }
0x58: {  	_ =	shalt  }
0x59: {  	_ =	shalt  }
0x5a: {  	_ =	shalt  }
0x5b: {  	_ =	shalt  }
0x5c: {  	_ =	shalt  }
0x5d: {  	_ =	shalt  }
0x5e: {  	_ =	shalt  }
0x5f: {  	_ =	shalt  }
0x60: {  	_ =	shalt  }
0x61: {  	_ =	shalt  }
0x62: {  	_ =	shalt  }
0x63: {  	_ =	shalt  }
0x64: {  	_ =	shalt  }
0x65: {  	_ =	shalt  }
0x66: {  	_ =	shalt  }
0x67: {  	_ =	shalt  }
0x68: {  	_ =	shalt  }
0x69: {  	_ =	shalt  }
0x6a: {  	_ =	shalt  }
0x6b: {  	_ =	shalt  }
0x6c: {  	_ =	shalt  }
0x6d: {  	_ =	shalt  }
0x6e: {  	_ =	shalt  }
0x6f: {  	_ =	shalt  }
0x70: {  	_ =	shalt  }
0x71: {  	_ =	shalt  }
0x72: {  	_ =	shalt  }
0x73: {  	_ =	shalt  }
0x74: {  	_ =	shalt  }
0x75: {  	_ =	shalt  }
0x76: {  	_ =	shalt  }
0x77: {  	_ =	shalt  }
0x78: {  	_ =	shalt  }
0x79: {  	_ =	shalt  }
0x7a: {  	_ =	shalt  }
0x7b: {  	_ =	shalt  }
0x7c: {  	_ =	shalt  }
0x7d: {  	_ =	shalt  }
0x7e: {  	_ =	shalt  }
0x7f: {  	_ =	shalt  }
0x80: {  	_ =	shalt  }
0x81: {  	_ =	shalt  }
0x82: {  	_ =	shalt  }
0x83: {  	_ =	shalt  }
0x84: {  	_ =	shalt  }
0x85: {  	_ =	shalt  }
0x86: {  	_ =	shalt  }
0x87: {  	_ =	shalt  }
.Lfunc_end0:
.L_simem_size_0:
called_computation.1_lowered:
.L_overlay_start_0:
0x88: {  	s0 =	sld [smem:$0x3FD9]  }
0x89: {  	s1 =	sld [smem:$0x3FFE];
	_ =	sdelay $0x3  }
0x8a: {  	s0 =	sadd.s32 s1, s0  }
0x8b: {  	[smem:$0x3FAD] =	sst s0  }
0x8c: {  	_ = 	snop  }
0x8d: {  	(tm) =	ssettm $0x1  }
0x8e: {  	s15 =	sld [smem:$0x3FFB];
	_ =	sdelay $0x3  }
0x8f: {  	_ =	strace s15  }
0x90: {  	s0 =	sld [smem:$0x3FFC];
	_ =	sdelay $0x3  }
0x91: {  	_ =	strace s0  }
0x92: {  	s0 =	sld [smem:$0x3FFD];
	_ =	sdelay $0x3  }
0x93: {  	_ =	strace s0  }
0x94: {  	_ =	strace $0x8FFFFFFF  }
0x95: {  	s16 =	sld [smem:$0x3FDB];
	_ =	sdelay $0x1  }
0x96: {  	s17 =	simm.s32 $_scs_section_size  }
0x97: {  	s2 =	simm.s32 $_size__tile_overlayer_lowered;
	s3 =	simm.s32 $_tile_overlayer_lowered  }
0x98: {  	s20 =	simm.s32 $0x1BFF;
	s19 =	sshll.u32 s3, $0x1;
	s0 =	sadd.s32 s17, s16  }
0x99: {  	s4 =	simm.s32 $0x0;
	s18 =	sshll.u32 s2, $0x1;
	s2 =	sadd.s32 s19, s0  }
0x9a: {  	[timem:s4], [sflag:s20] =	dma.local [hbm:s2], s18  }
0x9b: {  	_ =	swait.ge [sflag:s20], s18  }
0x9c: {  	s1 =	ssub.s32 $0x0, s18;
	[sflag:s20] =	ssyncset.done $0x0  }
0x9d: {  	[sflag:s20] =	ssyncadd.s32 s1;
	_ =	sdelay $0x1  }
0x9e: {  	s21 =	simm.s32 $0x1B8B  }
0x9f: {  	_ =	swait.ge [sflag:s21], $0x1  }
0xa0: {  	[sflag:s21] =	ssyncset.done $0x0  }
0xa1: {  	s23 =	simm.s32 $0x1B8E;
	s22 =	sld [smem:$0x3FFE];
	[sflag:s21] =	ssyncadd.s32 $0xFFFFFFFF  }
0xa2: {  	s24 =	simm.s32 $execute0_lowered;
	[smem:$0x3FD2] =	sst s23  }
0xa3: {  	s2 =	sshll.u32 s24, $0x1;
	_ =	strace $0x80000052;
	[dreg:$0x1] =	wrdreg $0xFFFFFFFF  }
0xa4: {  	s25 =	simm.s32 $_size_execute0_lowered;
	s0 =	sadd.s32 s0, s2;
	[dreg:$0x0] =	wrdreg $0x0  }
0xa5: {  	s2 =	sshll.u32 s25, $0x1;
	[dreg:$0x2] =	wrdreg s0  }
0xa6: {  	[dreg:$0x3] =	wrdreg s2  }
0xa7: {  	[dreg:$0x4] =	wrdreg $0xC0  }
0xa8: {  	_ =	task [dreg:s4], $0x5FFFF  }
0xa9: {  	[dreg:$0x1] =	wrdreg $0xFFFFFFFF  }
0xaa: {  	[dreg:$0x0] =	wrdreg $0x60  }
0xab: {  	[dreg:$0x2] =	wrdreg s22  }
0xac: {  	[dreg:$0x3] =	wrdreg $0x9  }
0xad: {  	_ =	task.clear_ibuf [dreg:s4], $0x4FFFF;
	_ =	strace $0x90000052  }
0xae: {  	s26 =	simm.s32 $0x9;
	_ =	strace $0x80000054  }
0xaf: {  	_ =	swait.ge [sflag:s26], $0x1  }
0xb0: {  	[sflag:s26] =	ssyncadd.s32 $0xFFFFFFFF  }
0xb1: {  	_ =	strace $0x90000054  }
0xb2: {  	_ =	sfence  }
0xb3: {  	s28 =	sld [smem:$0x0];
	_ =	sdelay $0x1  }
0xb4: {  	s29 =	srdreg.scid  }
0xb5: {  	s30 =	sshll.u32 s29, $0xD;
	s31 =	sshrl.u32 s29, $0x2  }
0xb6: {  	s1 =	sand.u32 $0x1, s29;
	s2 =	sand.u32 $0x4000, s30;
	s0 =	sadd.s32 s31, s28  }
0xb7: {  	s1 =	sor.u32 s2, s1;
	s0 =	sshll.u32 s0, $0x11  }
0xb8: {  	s0 =	sor.u32 s0, s1  }
0xb9: {  	s0 =	sadd.s32 $0x8F2B, s0  }
0xba: {  	[sflag:s0] =	ssyncadd.remote.s32 $0x1  }
0xbb: {  	_ =	sfence.sel $0xFFFF  }
0xbc: {  	[dreg:$0x0] =	wrdreg $0xFFFFFFFF;
	(pc) =	sbr.abs _section_cstart, $3  }
0xbd: {  	[dreg:$0x1] =	wrdreg $0xFFFFFFFF  }
0xbe: {  	_ =	task.clear_ibuf [dreg:s4], $0x2FFFF;
	_ =	strace $0x9FFFFFFF  }
0xbf: {  	(tm) =	ssettm $0x7FFFFFFF  }
tec
execute0_lowered:
.L_overlay_start_1:
0x0: {  	(tag) =	ssettag $0x1  }
0x1: {  	s8 =	rddreg [dreg:$0x0]  }
0x2: {  	s0 =	rddreg [dreg:$0x1];
	_ =	strace $0x80000053  }
0x3: {  	s4 =	simm.s32 $0x1;
	s1 =	stileid.u32;
	s7 =	simm.s32 $0x1  }
0x4: {  	s9 =	simm.s32 $0x1;
	s6 =	simm.s32 $0x2;
	s10 =	simm.s32 $0x3  }
0x5: {  	s13 =	simm.s32 $0x0;
	s12 =	simm.s32 $0x0;
	s2 =	sadd.s32 $0x7400, s8  }
.Ltmp0:
0x6: {  	s3 =	sadd.s32 $0x7A00, s8;
	p0 =	slt.u32 s1, $0xA;
	(pc) =	sbr.rel .LBB2_1-.Ltmp0, $4  }
0x7: {  	[sflag:s4] =	ssyncpa.u1 $0x0;
	s7 =	simm.s32 @!p0 $0x0;
	p0 =	sne.s32 s1, $0x9  }
0x8: {  	s5 =	smul.u32 $0x190, s1;
	[sflag:s6] =	ssyncpa.u1 $0x0;
	s9 =	simm.s32 @!p0 $0x0  }
0x9: {  	s8 =	sadd.s32 $0x8000, s8;
	[sflag:s10] =	ssyncpa.u1 $0x0;
	s7 =	sadd.s32 s9, s7  }
0xa: {  	vm0 =	vmmov $0xffff;
	s10 =	simm.s32 $0x0;
	s11 =	smov.u32 s5;
	s9 =	sadd.s32 $0x1, s7  }
.LBB2_4:
0xb: {  	v2 =	vnsel vm1, $0x0, v2  }
0xc: {  	vm1 =	vgt.s32 v0, $0x0;
	v2 =	vmin.u32 v2, $0x270F  }
0xd: {  	v0 =	vnsel vm1, $0x0, v0  }
0xe: {  	v0 =	vmin.u32 v0, $0x270F  }
0xf: {  	[tilespmem:s18], [sflag:$0x1] =	stream.indirect_vreg.gather [hbm4b:s2+s10], $0x1, v1, vm0, $0x4038;
	[tilespmem:$0x640] =	vst v63  }
0x10: {  	(ifvalue) =	ssetifvalue $0x7FFFFFFF  }
0x11: {  	[tilespmem:s15], [sflag:$0x1] =	stream.indirect_vreg.gather [hbm4b:s2+s10], $0x1, v2, vm0, $0x4038;
	[tilespmem:$0x640] =	vst v63  }
0x12: {  	s29 =	sadd.s32 $0x10, s15;
	(ifvalue) =	ssetifvalue $0x7FFFFFFF  }
0x13: {  	[tilespmem:s29], [sflag:$0x1] =	stream.indirect_vreg.gather [hbm4b:s2+s10], $0x1, v0, vm0, $0x4038;
	[tilespmem:$0x640] =	vst v63  }
0x14: {  	_ =	swait.ge [sflag:s4], $0x190  }
0x15: {  	s30 =	sshrl.u32 s13, $0x3;
	[sflag:s4] =	ssyncset.done $0x0  }
0x16: {  	s31 =	sand.u32 $0x7, s13;
	s15 =	sadd.s32 s8, s30;
	[sflag:s4] =	ssyncadd.s32 $0xFFFFFE70  }
0x17: {  	[hbm4b:s15+s31] =	stream.linear.scatter [tilespmem:s14], [sflag:$0x3], $0x190, $0x38;
	[tilespmem:$0x640] =	vst v63  }
.LBB2_5:
0x18: {  	s15 =	sadd.s32 $0x1900, s11  }
0x19: {  	p1 =	sgt.s32 s15, $0x270F  }
0x1a: {  	s15 =	smov.u32 @p1 s5;
	p1 =	sne.s32 s12, s9  }
.Ltmp1:
0x1b: {  	p0 =	slt.u32 s12, $0x2;
	(pc) =	sbr.rel @!p1 .LBB2_6-.Ltmp1, $4  }
0x1c: {  	s14 =	simm.s32 @!p0 $0x3  }
0x1d: {  	_ =	swait.ge @!p0 [sflag:s14], $0x190  }
0x1e: {  	s16 =	sadd.s32 $0x1, s12;
	s13 =	smov.u32 s11;
	[sflag:s14] =	ssyncset.done @!p0 $0x0  }
0x1f: {  	s12 =	smov.u32 s16;
	s11 =	smov.u32 s15;
	[sflag:s14] =	ssyncadd.s32 @!p0 $0xFFFFFE70  }
.LBB2_1:
0x20: {  	p0 =	sge.u32 s12, s7  }
0x21: {  	s14 =	sxor.u32 @!p0 $0x1, s12  }
0x22: {  	s14 =	smul.u32 @!p0 $0x640, s14  }
0x23: {  	s31 =	sadd.s32 $0xFFFFFFFF, s12;
	s15 =	sshrl.u32 @!p0 s11, $0x3  }
0x24: {  	s16 =	sand.u32 @!p0 $0x7, s11;
	s15 =	sadd.s32 @!p0 s3, s15;
	s14 =	sshra.s32 @!p0 s14, $0x2  }
0x25: {  	[tilespmem:s14], [sflag:$0x2] =	stream.linear.gather @!p0 [hbm4b:s15+s16], $0x190, $0x38;
	[tilespmem:$0x640] =	vst v63  }
0x26: {  	p0 =	sge.u32 s31, s7  }
.Ltmp2:
0x27: {  	_ = 	snop;
	(pc) =	sbr.rel @p0 .LBB2_5-.Ltmp2, $1  }
0x28: {  	_ =	sdelay $0x3  }
0x29: {  	s14 =	sand.u32 $0x1, s12  }
0x2a: {  	_ =	swait.ge [sflag:s6], $0x190;
	p0 =	seq.s32 s14, $0x1;
	s14 =	simm.s32 $0x190  }
0x2b: {  	[sflag:s6] =	ssyncset.done $0x0;
	s14 =	simm.s32 @!p0 $0x0  }
0x2c: {  	[sflag:s6] =	ssyncadd.s32 $0xFFFFFE70;
	(ifvalue) =	ssetifvalue $0x7FFFFFFF;
	v0 =	vld.msk [tilespmem:s14+$0x0 ss:$0x1], $0xffff;
	_ =	sdelay $0x4  }
0x2d: {  	s15 =	sadd.s32 $0x10, s14;
	vm1 =	vgt.s32 v0, $0x0  }
0x2e: {  	v2 =	vld.msk [tilespmem:s15+$0x0 ss:$0x1], $0xffff;
	v1 =	vnsel vm1, $0x0, v0  }
0x2f: {  	v1 =	vmin.u32 v1, $0x270F;
	_ =	sdelay $0x2  }
0x30: {  	s17 =	simm.s32 $0x20;
	s14 =	sadd.s32 $0x320, s14;
	s16 =	sadd.s32 $0x10, s15  }
0x31: {  	s15 =	sadd.s32 $0x10, s14;
	s18 =	smov.u32 s14;
	v0 =	vld.msk [tilespmem:s16+$0x0 ss:$0x1], $0xffff;
	vm1 =	vgt.s32 v2, $0x0;
	(ifvalue) =	ssetifvalue $0x7FFFFFFF  }
.LBB2_3:
0x32: {  	[tilespmem:s18], [sflag:$0x1] =	stream.indirect_vreg.gather [hbm4b:s2+s10], $0x1, v1, vm0, $0x4038;
	[tilespmem:$0x640] =	vst v63  }
0x33: {  	s17 =	sadd.s32 $0x10, s17  }
0x34: {  	v2 =	vnsel vm1, $0x0, v2;
	p0 =	slt.u32 s17, $0x180  }
.Ltmp3:
0x35: {  	s18 =	smov.u32 s15;
	v1 =	vmin.u32 v2, $0x270F;
	(pc) =	sbr.rel @p0 .LBB2_3-.Ltmp3, $3  }
0x36: {  	_ =	sdelay $0x1  }
0x37: {  	s16 =	sadd.s32 $0x10, s16  }
0x38: {  	vm1 =	vgt.s32 v0, $0x0;
	s15 =	sadd.s32 $0x10, s15;
	v2 =	vmov v0;
	(ifvalue) =	ssetifvalue $0x7FFFFFFF;
	v0 =	vld.msk [tilespmem:s16+$0x0 ss:$0x1], $0xffff  }
.Ltmp4:
0x39: {  	_ = 	snop;
	(pc) =	sbr.rel .LBB2_4-.Ltmp4, $1  }
0x3a: {  	_ =	sdelay $0x3  }
.LBB2_6:
0x3b: {  	_ =	sfence.sel $0x180000  }
0x3c: {  	s2 =	simm.s32 $0x2;
	[bflag:$0x0] =	sbarrier.arrive $0xFFFF  }
0x3d: {  	s30 =	simm.s32 $0x3;
	[sflag:s2] =	ssyncpa.u1 $0x1  }
0x3e: {  	s31 =	simm.s32 $0x1;
	[sflag:s30] =	ssyncpa.u1 $0x1  }
0x3f: {  	[sflag:s31] =	ssyncpa.u1 $0x1  }
0x40: {  	p0 =	sne.s32 s1, $0x0;
	_ =	strace $0x90000053  }
0x41: {  	s0 =	sadd.s32 @!p0 $0x100000, s0;
	[bflag:$0x2] =	sbarrier.arrive $0xFFFF  }
0x42: {  	[sflag:s0] =	ssyncadd.tile.s32 @!p0 $0x1;
	_ =	shalt  }
.Lfunc_end2:
_tile_overlayer_lowered:
.L_overlay_start_2:
0x43: {  	(tag) =	ssettag $0x2  }
0x44: {  	s0 =	rddreg [dreg:$0x0];
	s2 =	stileid.u32  }
0x45: {  	s1 =	rddreg [dreg:$0x1];
	p0 =	sne.s32 s2, $0x0  }
0x46: {  	s3 =	rddreg [dreg:$0x2];
	[bflag:$0x3] =	sbarrier.arrive $0xFFFF;
	s2 =	simm.s32 @!p0 $0x1C01  }
0x47: {  	[timem:s3], [sflag:s2] =	dma.local @!p0 [hbm:s0], s1  }
0x48: {  	s0 =	simm.s32 @!p0 $0x1  }
0x49: {  	_ =	swait.ge @!p0 [sflag:s0], s1  }
0x4a: {  	s1 =	ssub.s32 @!p0 $0x0, s1;
	[sflag:s0] =	ssyncset.done @!p0 $0x0  }
0x4b: {  	[sflag:s0] =	ssyncadd.s32 @!p0 s1  }
0x4c: {  	[bflag:$0x3] =	sbarrier.arrive $0xFFFF  }
0x4d: {  	_ =	shalt  }

// kernel: gather_offload_async_start.2
scs
__scs_entry_jumppad:
0x0: {  	(pc) =	sbr.rel $0x88, $3  }
0x1: {  	(tag) =	ssettag $0x0;
	lr =	simm.s32 $0x1  }
0x2: {  	[smem:$0x3F86] =	sst lr;
	_ =	strace $0xD0000000  }
0x3: {  	_ = 	snop  }
0x4: {  	_ = 	snop  }
0x5: {  	_ = 	snop  }
0x6: {  	_ = 	snop  }
0x7: {  	_ = 	snop  }
__scs_overlays_trampoline_lowered:
0x8: {  	[smem:$0x3F95] =	sst s0  }
0x9: {  	[smem:$0x3F96] =	sst s1  }
0xa: {  	[smem:$0x3F97] =	sst s2  }
0xb: {  	[smem:$0x3F98] =	sst s3  }
0xc: {  	[smem:$0x3F99] =	sst s4  }
0xd: {  	[smem:$0x3F9A] =	sst s5  }
0xe: {  	[smem:$0x3F9B] =	sst s6  }
0xf: {  	[smem:$0x3F9C] =	sst s7  }
0x10: {  	[smem:$0x3F9D] =	sst s8  }
0x11: {  	[smem:$0x3F9E] =	sst s9;
	s0 =	simm.s32 @!p0 $0x0  }
0x12: {  	s1 =	sld [smem:$0x3F84];
	s0 =	simm.s32 @p0 $0x1  }
0x13: {  	[smem:$0x3F9F] =	sst s0;
	s0 =	simm.s32 @!p1 $0x0  }
0x14: {  	s2 =	sld [smem:$0x3F83];
	s0 =	simm.s32 @p1 $0x1  }
0x15: {  	[smem:$0x3FA0] =	sst s0;
	s0 =	simm.s32 @!p2 $0x0  }
0x16: {  	s3 =	sld [smem:$0x3FDB];
	s0 =	simm.s32 @p2 $0x1  }
0x17: {  	s4 =	simm.s32 $0x1BF5;
	[smem:$0x3FA2] =	sst s0  }
0x18: {  	s0 =	sld [smem:$0x3F85];
	_ =	swait.ge [sflag:s4], $0x0  }
0x19: {  	s7 =	sld [smem:$0x3F86]  }
0x1a: {  	s8 =	sadd.s32 $0xFFFFE003, lr  }
0x1b: {  	s9 =	sadd.s32 $0xFFFFFEF7, lr;
	s5 =	simm.s32 $0xFFFFFFFF;
	p2 =	slt.u32 s8, $0xFFFFF086  }
0x1c: {  	p1 =	slt.u32 s9, $0xF7A;
	s5 =	simm.s32 @!p2 $0x0  }
0x1d: {  	s5 =	simm.s32 @p1 $0x1;
	p0 =	seq.s32 s7, s2  }
0x1e: {  	s7 =	smul.u32 @!p0 $0xF7A, s2;
	p2 =	seq.s32 @!p0 s5, $0x0  }
0x1f: {  	s9 =	smul.u32 $0xF7A, s1;
	s8 =	simm.s32 @!p0 $0x1BF5;
	p2 =	por !p2, p0  }
0x20: {  	[sflag:s8] =	ssyncset.s32 @!p0 $0xFFFFF086;
	s6 =	sadd.s32 @!p0 s3, s7;
	s7 =	simm.s32 @!p0 $0x108  }
0x21: {  	s3 =	sadd.s32 s3, s9;
	s6 =	sadd.s32 @!p0 $0x88, s6;
	s7 =	simm.s32 @p2 $0x1082  }
0x22: {  	[simem:s7], [sflag:s8] =	dma.local @!p0 [hbm:s6], $0xF7A  }
0x23: {  	s9 =	sor.u32 $0xD0000000, s2;
	s6 =	simm.s32 $0x108;
	_ =	swait.ge @!p0 [sflag:s8], $0x0  }
0x24: {  	s3 =	sadd.s32 $0x88, s3;
	s6 =	simm.s32 @!p1 $0x1082;
	[sflag:s4] =	ssyncset.s32 $0xFFFFF086  }
0x25: {  	[simem:s6], [sflag:s4] =	dma.local [hbm:s3], $0xF7A  }
0x26: {  	[smem:$0x3F86] =	sst s1;
	(tag) =	ssettag s2;
	_ =	strace s9  }
0x27: {  	s1 =	sld [smem:$0x3F96]  }
0x28: {  	s2 =	sld [smem:$0x3F97]  }
0x29: {  	s4 =	sld [smem:$0x3F99]  }
0x2a: {  	p0 =	seq.s32 s5, $0x0;
	s5 =	sld [smem:$0x3F9A]  }
0x2b: {  	s6 =	sld [smem:$0x3F9B]  }
0x2c: {  	s7 =	sld [smem:$0x3F9C]  }
0x2d: {  	s3 =	simm.s32 $0x108;
	s8 =	sld [smem:$0x3F9D]  }
0x2e: {  	s3 =	simm.s32 @!p0 $0x1082;
	s9 =	sld [smem:$0x3F9E]  }
0x2f: {  	lr =	sadd.s32 s0, s3;
	s0 =	sld [smem:$0x3F95]  }
0x30: {  	s3 =	sld [smem:$0x3F98]  }
0x31: {  	[smem:$0x3FA1] =	sst s10  }
0x32: {  	s10 =	sld [smem:$0x3F9F];
	_ =	sdelay $0x3  }
0x33: {  	p0 =	seq.s32 s10, $0x1;
	s10 =	sld [smem:$0x3FA1];
	_ =	sdelay $0x3  }
0x34: {  	[smem:$0x3FA1] =	sst s10  }
0x35: {  	s10 =	sld [smem:$0x3FA0];
	_ =	sdelay $0x3  }
0x36: {  	p1 =	seq.s32 s10, $0x1;
	s10 =	sld [smem:$0x3FA1];
	_ =	sdelay $0x3  }
0x37: {  	[smem:$0x3FA1] =	sst s10  }
0x38: {  	s10 =	sld [smem:$0x3FA2]  }
0x39: {  	_ = 	snop;
	(pc) =	sbr.ind lr, $3  }
0x3a: {  	_ = 	snop  }
0x3b: {  	_ = 	snop  }
0x3c: {  	p2 =	seq.s32 s10, $0x1;
	s10 =	sld [smem:$0x3FA1]  }
0x3d: {  	_ =	shalt  }
0x3e: {  	_ =	shalt  }
0x3f: {  	_ =	shalt  }
0x40: {  	_ =	shalt  }
0x41: {  	_ =	shalt  }
0x42: {  	_ =	shalt  }
0x43: {  	_ =	shalt  }
0x44: {  	_ =	shalt  }
0x45: {  	_ =	shalt  }
0x46: {  	_ =	shalt  }
0x47: {  	_ =	shalt  }
0x48: {  	_ =	shalt  }
0x49: {  	_ =	shalt  }
0x4a: {  	_ =	shalt  }
0x4b: {  	_ =	shalt  }
0x4c: {  	_ =	shalt  }
0x4d: {  	_ =	shalt  }
0x4e: {  	_ =	shalt  }
0x4f: {  	_ =	shalt  }
0x50: {  	_ =	shalt  }
0x51: {  	_ =	shalt  }
0x52: {  	_ =	shalt  }
0x53: {  	_ =	shalt  }
0x54: {  	_ =	shalt  }
0x55: {  	_ =	shalt  }
0x56: {  	_ =	shalt  }
0x57: {  	_ =	shalt  }
0x58: {  	_ =	shalt  }
0x59: {  	_ =	shalt  }
0x5a: {  	_ =	shalt  }
0x5b: {  	_ =	shalt  }
0x5c: {  	_ =	shalt  }
0x5d: {  	_ =	shalt  }
0x5e: {  	_ =	shalt  }
0x5f: {  	_ =	shalt  }
0x60: {  	_ =	shalt  }
0x61: {  	_ =	shalt  }
0x62: {  	_ =	shalt  }
0x63: {  	_ =	shalt  }
0x64: {  	_ =	shalt  }
0x65: {  	_ =	shalt  }
0x66: {  	_ =	shalt  }
0x67: {  	_ =	shalt  }
0x68: {  	_ =	shalt  }
0x69: {  	_ =	shalt  }
0x6a: {  	_ =	shalt  }
0x6b: {  	_ =	shalt  }
0x6c: {  	_ =	shalt  }
0x6d: {  	_ =	shalt  }
0x6e: {  	_ =	shalt  }
0x6f: {  	_ =	shalt  }
0x70: {  	_ =	shalt  }
0x71: {  	_ =	shalt  }
0x72: {  	_ =	shalt  }
0x73: {  	_ =	shalt  }
0x74: {  	_ =	shalt  }
0x75: {  	_ =	shalt  }
0x76: {  	_ =	shalt  }
0x77: {  	_ =	shalt  }
0x78: {  	_ =	shalt  }
0x79: {  	_ =	shalt  }
0x7a: {  	_ =	shalt  }
0x7b: {  	_ =	shalt  }
0x7c: {  	_ =	shalt  }
0x7d: {  	_ =	shalt  }
0x7e: {  	_ =	shalt  }
0x7f: {  	_ =	shalt  }
0x80: {  	_ =	shalt  }
0x81: {  	_ =	shalt  }
0x82: {  	_ =	shalt  }
0x83: {  	_ =	shalt  }
0x84: {  	_ =	shalt  }
0x85: {  	_ =	shalt  }
0x86: {  	_ =	shalt  }
0x87: {  	_ =	shalt  }
.Lfunc_end0:
.L_simem_size_0:
called_computation.2_lowered:
.L_overlay_start_0:
0x88: {  	s0 =	sld [smem:$0x3FD9]  }
0x89: {  	s1 =	sld [smem:$0x3FFE];
	_ =	sdelay $0x3  }
0x8a: {  	s0 =	sadd.s32 s1, s0  }
0x8b: {  	[smem:$0x3FAD] =	sst s0  }
0x8c: {  	_ = 	snop  }
0x8d: {  	(tm) =	ssettm $0x1  }
0x8e: {  	s15 =	sld [smem:$0x3FFB];
	_ =	sdelay $0x3  }
0x8f: {  	_ =	strace s15  }
0x90: {  	s0 =	sld [smem:$0x3FFC];
	_ =	sdelay $0x3  }
0x91: {  	_ =	strace s0  }
0x92: {  	s0 =	sld [smem:$0x3FFD];
	_ =	sdelay $0x3  }
0x93: {  	_ =	strace s0  }
0x94: {  	_ =	strace $0x8FFFFFFF  }
0x95: {  	s16 =	sld [smem:$0x3FDB];
	_ =	sdelay $0x1  }
0x96: {  	s17 =	simm.s32 $_scs_section_size  }
0x97: {  	s2 =	simm.s32 $_size__tile_overlayer_lowered;
	s3 =	simm.s32 $_tile_overlayer_lowered  }
0x98: {  	s20 =	simm.s32 $0x1BFF;
	s19 =	sshll.u32 s3, $0x1;
	s0 =	sadd.s32 s17, s16  }
0x99: {  	s4 =	simm.s32 $0x0;
	s18 =	sshll.u32 s2, $0x1;
	s2 =	sadd.s32 s19, s0  }
0x9a: {  	[timem:s4], [sflag:s20] =	dma.local [hbm:s2], s18  }
0x9b: {  	_ =	swait.ge [sflag:s20], s18  }
0x9c: {  	s1 =	ssub.s32 $0x0, s18;
	[sflag:s20] =	ssyncset.done $0x0  }
0x9d: {  	[sflag:s20] =	ssyncadd.s32 s1;
	_ =	sdelay $0x1  }
0x9e: {  	s21 =	simm.s32 $0x1B8B  }
0x9f: {  	_ =	swait.ge [sflag:s21], $0x1  }
0xa0: {  	[sflag:s21] =	ssyncset.done $0x0  }
0xa1: {  	s23 =	simm.s32 $0x1B8E;
	s22 =	sld [smem:$0x3FFE];
	[sflag:s21] =	ssyncadd.s32 $0xFFFFFFFF  }
0xa2: {  	s24 =	simm.s32 $execute0_lowered;
	[smem:$0x3FD2] =	sst s23  }
0xa3: {  	s2 =	sshll.u32 s24, $0x1;
	_ =	strace $0x80000046;
	[dreg:$0x1] =	wrdreg $0xFFFFFFFF  }
0xa4: {  	s25 =	simm.s32 $_size_execute0_lowered;
	s0 =	sadd.s32 s0, s2;
	[dreg:$0x0] =	wrdreg $0x0  }
0xa5: {  	s2 =	sshll.u32 s25, $0x1;
	[dreg:$0x2] =	wrdreg s0  }
0xa6: {  	[dreg:$0x3] =	wrdreg s2  }
0xa7: {  	[dreg:$0x4] =	wrdreg $0xC0  }
0xa8: {  	_ =	task [dreg:s4], $0x5FFFF  }
0xa9: {  	[dreg:$0x1] =	wrdreg $0xFFFFFFFF  }
0xaa: {  	[dreg:$0x0] =	wrdreg $0x60  }
0xab: {  	[dreg:$0x2] =	wrdreg s22  }
0xac: {  	[dreg:$0x3] =	wrdreg $0x9  }
0xad: {  	_ =	task.clear_ibuf [dreg:s4], $0x4FFFF;
	_ =	strace $0x90000046  }
0xae: {  	s26 =	simm.s32 $0x9;
	_ =	strace $0x80000048  }
0xaf: {  	_ =	swait.ge [sflag:s26], $0x1  }
0xb0: {  	[sflag:s26] =	ssyncadd.s32 $0xFFFFFFFF  }
0xb1: {  	_ =	strace $0x90000048  }
0xb2: {  	_ =	sfence  }
0xb3: {  	s28 =	sld [smem:$0x0];
	_ =	sdelay $0x1  }
0xb4: {  	s29 =	srdreg.scid  }
0xb5: {  	s30 =	sshll.u32 s29, $0xD;
	s31 =	sshrl.u32 s29, $0x2  }
0xb6: {  	s1 =	sand.u32 $0x1, s29;
	s2 =	sand.u32 $0x4000, s30;
	s0 =	sadd.s32 s31, s28  }
0xb7: {  	s1 =	sor.u32 s2, s1;
	s0 =	sshll.u32 s0, $0x11  }
0xb8: {  	s0 =	sor.u32 s0, s1  }
0xb9: {  	s0 =	sadd.s32 $0x8F2B, s0  }
0xba: {  	[sflag:s0] =	ssyncadd.remote.s32 $0x1  }
0xbb: {  	_ =	sfence.sel $0xFFFF  }
0xbc: {  	[dreg:$0x0] =	wrdreg $0xFFFFFFFF;
	(pc) =	sbr.abs _section_cstart, $3  }
0xbd: {  	[dreg:$0x1] =	wrdreg $0xFFFFFFFF  }
0xbe: {  	_ =	task.clear_ibuf [dreg:s4], $0x2FFFF;
	_ =	strace $0x9FFFFFFF  }
0xbf: {  	(tm) =	ssettm $0x7FFFFFFF  }
tec
execute0_lowered:
.L_overlay_start_1:
0x0: {  	(tag) =	ssettag $0x1  }
0x1: {  	s0 =	stileid.u32  }
0x2: {  	s1 =	smin.u32 s0, $0x9  }
0x3: {  	s1 =	sadd.s32 s0, s1  }
0x4: {  	s2 =	simm.s32 $0x320;
	p0 =	slt.u32 s0, $0x9;
	s1 =	smul.u32 $0x190, s1  }
0x5: {  	s2 =	simm.s32 @!p0 $0x190  }
0x6: {  	s2 =	sadd.s32 s2, s1  }
0x7: {  	s3 =	smin.u32 s2, $0x2710  }
0x8: {  	s7 =	ssub.s32 s3, s1  }
0x9: {  	p0 =	sgt.s32 s7, $0x0  }
0xa: {  	s7 =	simm.s32 @!p0 $0x0  }
0xb: {  	s31 =	sand.u32 $0xFFF0, s7  }
0xc: {  	s2 =	sshrl.u32 s31, $0x4  }
0xd: {  	s2 =	smul.u32 $0xA3E, s2  }
0xe: {  	s9 =	rddreg [dreg:$0x0];
	s6 =	simm.s32 $0x1;
	s11 =	simm.s32 $0x3  }
0xf: {  	s13 =	simm.s32 $0x0;
	s12 =	simm.s32 $0x0;
	s8 =	sshrl.u32 s2, $0x10  }
0x10: {  	s4 =	sadd.s32 $0x6000, s9;
	s5 =	sadd.s32 $0x2D200, s9;
	s10 =	smul.u32 $0x190, s8  }
.Ltmp0:
0x11: {  	s9 =	sadd.s32 $0x2D800, s9;
	s2 =	rddreg [dreg:$0x1];
	(pc) =	sbr.rel .LBB2_1-.Ltmp0, $4  }
0x12: {  	_ =	strace $0x80000047;
	p0 =	sne.s32 s7, s10;
	s10 =	simm.s32 $0x1  }
0x13: {  	[sflag:s6] =	ssyncpa.u1 $0x0;
	s7 =	simm.s32 $0x2;
	s10 =	simm.s32 @!p0 $0x0  }
0x14: {  	[sflag:s7] =	ssyncpa.u1 $0x0;
	p0 =	por $0x0, $0x0;
	s8 =	sadd.s32 s8, s10  }
0x15: {  	vm0 =	vmmov $0xff;
	vm1 =	vcmask $0x3F20;
	[sflag:s11] =	ssyncpa.u1 $0x0;
	s11 =	smov.u32 s1;
	s10 =	sadd.s32 $0x1, s8  }
.LBB2_6:
0x16: {  	[hbm:s17] =	stream.linear.scatter [tilespmem:s14], [sflag:$0x3], $0x400, $0x38;
	[tilespmem:$0x19320] =	vst v63  }
.LBB2_7:
0x17: {  	s13 =	sadd.s32 $0x190, s11  }
0x18: {  	s15 =	smov.u32 s1;
	p2 =	slt.s32 s13, s3  }
0x19: {  	s15 =	smov.u32 @p2 s13;
	p2 =	sne.s32 s12, s10  }
.Ltmp1:
0x1a: {  	p1 =	slt.u32 s12, $0x2;
	(pc) =	sbr.rel @!p2 .LBB2_8-.Ltmp1, $4  }
0x1b: {  	s14 =	simm.s32 @!p1 $0x3  }
0x1c: {  	s16 =	sadd.s32 $0x1, s12;
	_ =	swait.ge @!p1 [sflag:s14], $0xC800  }
0x1d: {  	p0 =	por !p0, !p0;
	s13 =	smov.u32 s11;
	[sflag:s14] =	ssyncset.done @!p1 $0x0  }
0x1e: {  	s12 =	smov.u32 s16;
	s11 =	smov.u32 s15;
	[sflag:s14] =	ssyncadd.s32 @!p1 $0xFFFF3800  }
.LBB2_1:
0x1f: {  	p1 =	sge.u32 s12, s8  }
0x20: {  	s14 =	sxor.u32 @!p1 $0xFFFFFFFF, s12  }
0x21: {  	s14 =	sand.u32 @!p1 $0x1, s14  }
0x22: {  	s14 =	smul.u32 @!p1 $0x640, s14  }
0x23: {  	s31 =	sadd.s32 $0xFFFFFFFF, s12;
	s15 =	sshrl.u32 @!p1 s11, $0x3  }
0x24: {  	s16 =	sand.u32 @!p1 $0x7, s11;
	s15 =	sadd.s32 @!p1 s5, s15;
	s14 =	sshrl.u32 @!p1 s14, $0x2  }
0x25: {  	[tilespmem:s14], [sflag:$0x2] =	stream.linear.gather @!p1 [hbm4b:s15+s16], $0x190, $0x38;
	[tilespmem:$0x19320] =	vst v63  }
0x26: {  	p1 =	sge.u32 s31, s8  }
.Ltmp2:
0x27: {  	_ = 	snop;
	(pc) =	sbr.rel @p1 .LBB2_7-.Ltmp2, $1  }
0x28: {  	_ =	sdelay $0x3  }
0x29: {  	s14 =	simm.s32 $0x1  }
0x2a: {  	s14 =	simm.s32 @!p0 $0x0  }
0x2b: {  	s15 =	smul.u32 $0x640, s14  }
0x2c: {  	_ =	swait.ge [sflag:s7], $0x190  }
0x2d: {  	[sflag:s7] =	ssyncset.done $0x0;
	s16 =	sshrl.u32 s15, $0x2  }
0x2e: {  	[sflag:s7] =	ssyncadd.s32 $0xFFFFFE70;
	s15 =	sadd.s32 $0x0, s16  }
0x2f: {  	v0 =	vld.msk [tilespmem:s15+$0x0 ss:$0x1], $0xffff;
	_ =	sdelay $0x4  }
0x30: {  	vm2 =	vgt.s32 v0, $0x0  }
0x31: {  	v0 =	vnsel vm2, $0x0, v0  }
0x32: {  	v0 =	vmin.u32 v0, $0x270F  }
0x33: {  	v0 =	vshll.u32 v0, $0x4  }
0x34: {  	s14 =	smul.u32 $0x32000, s14;
	_ =	sdelay $0x1  }
0x35: {  	s14 =	sshrl.u32 s14, $0x2  }
0x36: {  	s14 =	sor.u32 $0x320, s14  }
0x37: {  	[tilespmem:s14], [sflag:$0x1] =	stream.indirect_vreg.gather [hbm:s4], $0x80, v0, vm0, $0x38;
	[tilespmem:$0x19320] =	vst v63  }
0x38: {  	s17 =	sadd.s32 $0x10, s16;
	s15 =	sadd.s32 $0x400, s14  }
0x39: {  	[tilespmem:s15], [sflag:$0x1] =	stream.indirect_vreg.gather [hbm:s4], $0x80, v0, vm1, $0x38;
	[tilespmem:$0x19320] =	vst v63  }
0x3a: {  	s18 =	simm.s32 $0x80;
	v0 =	vld.msk [tilespmem:s17+$0x0 ss:$0x1], $0xffff;
	s17 =	smov.u32 s14  }
.LBB2_3:
0x3b: {  	p1 =	sne.s32 s18, $0x600;
	_ =	sdelay $0x4  }
0x3c: {  	vm2 =	vgt.s32 v0, $0x0  }
0x3d: {  	v0 =	vnsel vm2, $0x0, v0  }
0x3e: {  	v0 =	vmin.u32 v0, $0x270F  }
0x3f: {  	v0 =	vshll.u32 v0, $0x4;
	_ =	sdelay $0x3  }
.Ltmp3:
0x40: {  	s19 =	sshra.s32 s18, $0x2;
	s17 =	sadd.s32 $0x800, s17;
	(pc) =	sbr.rel @p1 .LBB2_3-.Ltmp3, $4  }
0x41: {  	[tilespmem:s17], [sflag:$0x1] =	stream.indirect_vreg.gather [hbm:s4], $0x80, v0, vm0, $0x38;
	[tilespmem:$0x19320] =	vst v63  }
0x42: {  	s19 =	sadd.s32 s19, s16;
	s20 =	sadd.s32 $0x400, s17  }
0x43: {  	[tilespmem:s20], [sflag:$0x1] =	stream.indirect_vreg.gather [hbm:s4], $0x80, v0, vm1, $0x38;
	[tilespmem:$0x19320] =	vst v63  }
0x44: {  	s18 =	sadd.s32 $0x40, s18;
	v0 =	vld.msk [tilespmem:s19+$0x0 ss:$0x1], $0xffff  }
0x45: {  	_ =	sdelay $0x3  }
0x46: {  	vm2 =	vgt.s32 v0, $0x0  }
0x47: {  	v0 =	vnsel vm2, $0x0, v0  }
0x48: {  	v0 =	vmin.u32 v0, $0x270F  }
0x49: {  	v0 =	vshll.u32 v0, $0x4;
	_ =	sdelay $0x3  }
0x4a: {  	s16 =	sadd.s32 $0x800, s17  }
0x4b: {  	[tilespmem:s16], [sflag:$0x1] =	stream.indirect_vreg.gather [hbm:s4], $0x80, v0, vm0, $0x38;
	[tilespmem:$0x19320] =	vst v63  }
0x4c: {  	s16 =	sadd.s32 $0x400, s16  }
0x4d: {  	[tilespmem:s16], [sflag:$0x1] =	stream.indirect_vreg.gather [hbm:s4], $0x80, v0, vm1, $0x38;
	[tilespmem:$0x19320] =	vst v63  }
0x4e: {  	s13 =	sshll.u32 s13, $0x4;
	_ =	swait.ge [sflag:s6], $0xC800  }
0x4f: {  	s13 =	sadd.s32 s13, s9;
	[sflag:s6] =	ssyncset.done $0x0  }
0x50: {  	s17 =	sadd.s32 $0x0, s13;
	s16 =	simm.s32 $0x80;
	[sflag:s6] =	ssyncadd.s32 $0xFFFF3800  }
.LBB2_5:
0x51: {  	[hbm:s17] =	stream.linear.scatter [tilespmem:s14], [sflag:$0x3], $0x400, $0x38;
	[tilespmem:$0x19320] =	vst v63  }
0x52: {  	s17 =	smov.u32 s16;
	s14 =	smov.u32 s15;
	p1 =	sne.s32 s16, $0x1880  }
.Ltmp4:
0x53: {  	s16 =	sadd.s32 $0x80, s16;
	(pc) =	sbr.rel @p1 .LBB2_5-.Ltmp4, $2  }
0x54: {  	_ =	sdelay $0x2  }
0x55: {  	s15 =	sadd.s32 $0x400, s15;
	s17 =	sadd.s32 s17, s13  }
.Ltmp5:
0x56: {  	_ = 	snop;
	(pc) =	sbr.rel .LBB2_6-.Ltmp5, $1  }
0x57: {  	_ =	sdelay $0x3  }
.LBB2_8:
0x58: {  	_ =	sfence.sel $0x180000  }
0x59: {  	s1 =	simm.s32 $0x2;
	[bflag:$0x0] =	sbarrier.arrive $0xFFFF  }
0x5a: {  	s30 =	simm.s32 $0x3;
	[sflag:s1] =	ssyncpa.u1 $0x1  }
0x5b: {  	s31 =	simm.s32 $0x1;
	[sflag:s30] =	ssyncpa.u1 $0x1  }
0x5c: {  	[sflag:s31] =	ssyncpa.u1 $0x1  }
0x5d: {  	p0 =	sne.s32 s0, $0x0;
	_ =	strace $0x90000047  }
0x5e: {  	s0 =	sadd.s32 @!p0 $0x100000, s2;
	[bflag:$0x2] =	sbarrier.arrive $0xFFFF  }
0x5f: {  	[sflag:s0] =	ssyncadd.tile.s32 @!p0 $0x1;
	_ =	shalt  }
.Lfunc_end2:
_tile_overlayer_lowered:
.L_overlay_start_2:
0x60: {  	(tag) =	ssettag $0x2  }
0x61: {  	s0 =	rddreg [dreg:$0x0];
	s2 =	stileid.u32  }
0x62: {  	s1 =	rddreg [dreg:$0x1];
	p0 =	sne.s32 s2, $0x0  }
0x63: {  	s3 =	rddreg [dreg:$0x2];
	[bflag:$0x3] =	sbarrier.arrive $0xFFFF;
	s2 =	simm.s32 @!p0 $0x1C01  }
0x64: {  	[timem:s3], [sflag:s2] =	dma.local @!p0 [hbm:s0], s1  }
0x65: {  	s0 =	simm.s32 @!p0 $0x1  }
0x66: {  	_ =	swait.ge @!p0 [sflag:s0], s1  }
0x67: {  	s1 =	ssub.s32 @!p0 $0x0, s1;
	[sflag:s0] =	ssyncset.done @!p0 $0x0  }
0x68: {  	[sflag:s0] =	ssyncadd.s32 @!p0 s1  }
0x69: {  	[bflag:$0x3] =	sbarrier.arrive $0xFFFF  }
0x6a: {  	_ =	shalt  }

// kernel: gather_offload_async_start.3
scs
__scs_entry_jumppad:
0x0: {  	(pc) =	sbr.rel $0x88, $3  }
0x1: {  	(tag) =	ssettag $0x0;
	lr =	simm.s32 $0x1  }
0x2: {  	[smem:$0x3F86] =	sst lr;
	_ =	strace $0xD0000000  }
0x3: {  	_ = 	snop  }
0x4: {  	_ = 	snop  }
0x5: {  	_ = 	snop  }
0x6: {  	_ = 	snop  }
0x7: {  	_ = 	snop  }
__scs_overlays_trampoline_lowered:
0x8: {  	[smem:$0x3F95] =	sst s0  }
0x9: {  	[smem:$0x3F96] =	sst s1  }
0xa: {  	[smem:$0x3F97] =	sst s2  }
0xb: {  	[smem:$0x3F98] =	sst s3  }
0xc: {  	[smem:$0x3F99] =	sst s4  }
0xd: {  	[smem:$0x3F9A] =	sst s5  }
0xe: {  	[smem:$0x3F9B] =	sst s6  }
0xf: {  	[smem:$0x3F9C] =	sst s7  }
0x10: {  	[smem:$0x3F9D] =	sst s8  }
0x11: {  	[smem:$0x3F9E] =	sst s9;
	s0 =	simm.s32 @!p0 $0x0  }
0x12: {  	s1 =	sld [smem:$0x3F84];
	s0 =	simm.s32 @p0 $0x1  }
0x13: {  	[smem:$0x3F9F] =	sst s0;
	s0 =	simm.s32 @!p1 $0x0  }
0x14: {  	s2 =	sld [smem:$0x3F83];
	s0 =	simm.s32 @p1 $0x1  }
0x15: {  	[smem:$0x3FA0] =	sst s0;
	s0 =	simm.s32 @!p2 $0x0  }
0x16: {  	s3 =	sld [smem:$0x3FDB];
	s0 =	simm.s32 @p2 $0x1  }
0x17: {  	s4 =	simm.s32 $0x1BF5;
	[smem:$0x3FA2] =	sst s0  }
0x18: {  	s0 =	sld [smem:$0x3F85];
	_ =	swait.ge [sflag:s4], $0x0  }
0x19: {  	s7 =	sld [smem:$0x3F86]  }
0x1a: {  	s8 =	sadd.s32 $0xFFFFE003, lr  }
0x1b: {  	s9 =	sadd.s32 $0xFFFFFEF7, lr;
	s5 =	simm.s32 $0xFFFFFFFF;
	p2 =	slt.u32 s8, $0xFFFFF086  }
0x1c: {  	p1 =	slt.u32 s9, $0xF7A;
	s5 =	simm.s32 @!p2 $0x0  }
0x1d: {  	s5 =	simm.s32 @p1 $0x1;
	p0 =	seq.s32 s7, s2  }
0x1e: {  	s7 =	smul.u32 @!p0 $0xF7A, s2;
	p2 =	seq.s32 @!p0 s5, $0x0  }
0x1f: {  	s9 =	smul.u32 $0xF7A, s1;
	s8 =	simm.s32 @!p0 $0x1BF5;
	p2 =	por !p2, p0  }
0x20: {  	[sflag:s8] =	ssyncset.s32 @!p0 $0xFFFFF086;
	s6 =	sadd.s32 @!p0 s3, s7;
	s7 =	simm.s32 @!p0 $0x108  }
0x21: {  	s3 =	sadd.s32 s3, s9;
	s6 =	sadd.s32 @!p0 $0x88, s6;
	s7 =	simm.s32 @p2 $0x1082  }
0x22: {  	[simem:s7], [sflag:s8] =	dma.local @!p0 [hbm:s6], $0xF7A  }
0x23: {  	s9 =	sor.u32 $0xD0000000, s2;
	s6 =	simm.s32 $0x108;
	_ =	swait.ge @!p0 [sflag:s8], $0x0  }
0x24: {  	s3 =	sadd.s32 $0x88, s3;
	s6 =	simm.s32 @!p1 $0x1082;
	[sflag:s4] =	ssyncset.s32 $0xFFFFF086  }
0x25: {  	[simem:s6], [sflag:s4] =	dma.local [hbm:s3], $0xF7A  }
0x26: {  	[smem:$0x3F86] =	sst s1;
	(tag) =	ssettag s2;
	_ =	strace s9  }
0x27: {  	s1 =	sld [smem:$0x3F96]  }
0x28: {  	s2 =	sld [smem:$0x3F97]  }
0x29: {  	s4 =	sld [smem:$0x3F99]  }
0x2a: {  	p0 =	seq.s32 s5, $0x0;
	s5 =	sld [smem:$0x3F9A]  }
0x2b: {  	s6 =	sld [smem:$0x3F9B]  }
0x2c: {  	s7 =	sld [smem:$0x3F9C]  }
0x2d: {  	s3 =	simm.s32 $0x108;
	s8 =	sld [smem:$0x3F9D]  }
0x2e: {  	s3 =	simm.s32 @!p0 $0x1082;
	s9 =	sld [smem:$0x3F9E]  }
0x2f: {  	lr =	sadd.s32 s0, s3;
	s0 =	sld [smem:$0x3F95]  }
0x30: {  	s3 =	sld [smem:$0x3F98]  }
0x31: {  	[smem:$0x3FA1] =	sst s10  }
0x32: {  	s10 =	sld [smem:$0x3F9F];
	_ =	sdelay $0x3  }
0x33: {  	p0 =	seq.s32 s10, $0x1;
	s10 =	sld [smem:$0x3FA1];
	_ =	sdelay $0x3  }
0x34: {  	[smem:$0x3FA1] =	sst s10  }
0x35: {  	s10 =	sld [smem:$0x3FA0];
	_ =	sdelay $0x3  }
0x36: {  	p1 =	seq.s32 s10, $0x1;
	s10 =	sld [smem:$0x3FA1];
	_ =	sdelay $0x3  }
0x37: {  	[smem:$0x3FA1] =	sst s10  }
0x38: {  	s10 =	sld [smem:$0x3FA2]  }
0x39: {  	_ = 	snop;
	(pc) =	sbr.ind lr, $3  }
0x3a: {  	_ = 	snop  }
0x3b: {  	_ = 	snop  }
0x3c: {  	p2 =	seq.s32 s10, $0x1;
	s10 =	sld [smem:$0x3FA1]  }
0x3d: {  	_ =	shalt  }
0x3e: {  	_ =	shalt  }
0x3f: {  	_ =	shalt  }
0x40: {  	_ =	shalt  }
0x41: {  	_ =	shalt  }
0x42: {  	_ =	shalt  }
0x43: {  	_ =	shalt  }
0x44: {  	_ =	shalt  }
0x45: {  	_ =	shalt  }
0x46: {  	_ =	shalt  }
0x47: {  	_ =	shalt  }
0x48: {  	_ =	shalt  }
0x49: {  	_ =	shalt  }
0x4a: {  	_ =	shalt  }
0x4b: {  	_ =	shalt  }
0x4c: {  	_ =	shalt  }
0x4d: {  	_ =	shalt  }
0x4e: {  	_ =	shalt  }
0x4f: {  	_ =	shalt  }
0x50: {  	_ =	shalt  }
0x51: {  	_ =	shalt  }
0x52: {  	_ =	shalt  }
0x53: {  	_ =	shalt  }
0x54: {  	_ =	shalt  }
0x55: {  	_ =	shalt  }
0x56: {  	_ =	shalt  }
0x57: {  	_ =	shalt  }
0x58: {  	_ =	shalt  }
0x59: {  	_ =	shalt  }
0x5a: {  	_ =	shalt  }
0x5b: {  	_ =	shalt  }
0x5c: {  	_ =	shalt  }
0x5d: {  	_ =	shalt  }
0x5e: {  	_ =	shalt  }
0x5f: {  	_ =	shalt  }
0x60: {  	_ =	shalt  }
0x61: {  	_ =	shalt  }
0x62: {  	_ =	shalt  }
0x63: {  	_ =	shalt  }
0x64: {  	_ =	shalt  }
0x65: {  	_ =	shalt  }
0x66: {  	_ =	shalt  }
0x67: {  	_ =	shalt  }
0x68: {  	_ =	shalt  }
0x69: {  	_ =	shalt  }
0x6a: {  	_ =	shalt  }
0x6b: {  	_ =	shalt  }
0x6c: {  	_ =	shalt  }
0x6d: {  	_ =	shalt  }
0x6e: {  	_ =	shalt  }
0x6f: {  	_ =	shalt  }
0x70: {  	_ =	shalt  }
0x71: {  	_ =	shalt  }
0x72: {  	_ =	shalt  }
0x73: {  	_ =	shalt  }
0x74: {  	_ =	shalt  }
0x75: {  	_ =	shalt  }
0x76: {  	_ =	shalt  }
0x77: {  	_ =	shalt  }
0x78: {  	_ =	shalt  }
0x79: {  	_ =	shalt  }
0x7a: {  	_ =	shalt  }
0x7b: {  	_ =	shalt  }
0x7c: {  	_ =	shalt  }
0x7d: {  	_ =	shalt  }
0x7e: {  	_ =	shalt  }
0x7f: {  	_ =	shalt  }
0x80: {  	_ =	shalt  }
0x81: {  	_ =	shalt  }
0x82: {  	_ =	shalt  }
0x83: {  	_ =	shalt  }
0x84: {  	_ =	shalt  }
0x85: {  	_ =	shalt  }
0x86: {  	_ =	shalt  }
0x87: {  	_ =	shalt  }
.Lfunc_end0:
.L_simem_size_0:
called_computation.3_lowered:
.L_overlay_start_0:
0x88: {  	s0 =	sld [smem:$0x3FD9]  }
0x89: {  	s1 =	sld [smem:$0x3FFE];
	_ =	sdelay $0x3  }
0x8a: {  	s0 =	sadd.s32 s1, s0  }
0x8b: {  	[smem:$0x3FAD] =	sst s0  }
0x8c: {  	_ = 	snop  }
0x8d: {  	s0 =	sld [smem:$0x3FC9];
	(tm) =	ssettm $0x1  }
0x8e: {  	s16 =	sld [smem:$0x3FFB];
	_ =	sdelay $0x3  }
0x8f: {  	_ =	strace s16  }
0x90: {  	s1 =	sld [smem:$0x3FFC];
	_ =	sdelay $0x3  }
0x91: {  	_ =	strace s1  }
0x92: {  	s1 =	sld [smem:$0x3FFD];
	_ =	sdelay $0x3  }
0x93: {  	_ =	strace s1  }
0x94: {  	_ =	strace $0x8FFFFFFF  }
0x95: {  	s17 =	sld [smem:$0x3FDB];
	_ =	sdelay $0x1  }
0x96: {  	s2 =	simm.s32 $_scs_section_size  }
0x97: {  	s3 =	simm.s32 $_size__tile_overlayer_lowered;
	s4 =	simm.s32 $_tile_overlayer_lowered  }
0x98: {  	s20 =	simm.s32 $0x1BFF;
	s19 =	sshll.u32 s4, $0x1;
	s1 =	sadd.s32 s2, s17  }
0x99: {  	s5 =	simm.s32 $0x0;
	s18 =	sshll.u32 s3, $0x1;
	s3 =	sadd.s32 s19, s1  }
0x9a: {  	[timem:s5], [sflag:s20] =	dma.local [hbm:s3], s18  }
0x9b: {  	_ =	swait.ge [sflag:s20], s18  }
0x9c: {  	s2 =	ssub.s32 $0x0, s18;
	[sflag:s20] =	ssyncset.done $0x0  }
0x9d: {  	[sflag:s20] =	ssyncadd.s32 s2;
	_ =	sdelay $0x1  }
0x9e: {  	s21 =	simm.s32 $0x1B8B  }
0x9f: {  	_ =	swait.ge [sflag:s21], $0x1  }
0xa0: {  	[sflag:s21] =	ssyncset.done $0x0  }
0xa1: {  	s23 =	simm.s32 $0x1B8E;
	s22 =	sld [smem:$0x3FFE];
	[sflag:s21] =	ssyncadd.s32 $0xFFFFFFFF  }
0xa2: {  	s24 =	simm.s32 $execute0_lowered;
	[smem:$0x3FD2] =	sst s23  }
0xa3: {  	s3 =	sshll.u32 s24, $0x1;
	_ =	strace $0x80000049;
	[dreg:$0x1] =	wrdreg $0xFFFFFFFF  }
0xa4: {  	s25 =	simm.s32 $_size_execute0_lowered;
	s1 =	sadd.s32 s1, s3;
	[dreg:$0x0] =	wrdreg $0x0  }
0xa5: {  	s3 =	sshll.u32 s25, $0x1;
	[dreg:$0x2] =	wrdreg s1  }
0xa6: {  	[dreg:$0x3] =	wrdreg s3  }
0xa7: {  	[dreg:$0x4] =	wrdreg $0xC0  }
0xa8: {  	_ =	task [dreg:s5], $0x5FFFF  }
0xa9: {  	[dreg:$0x1] =	wrdreg $0xFFFFFFFF  }
0xaa: {  	[dreg:$0x0] =	wrdreg $0x60  }
0xab: {  	[dreg:$0x2] =	wrdreg s0  }
0xac: {  	[dreg:$0x3] =	wrdreg s22  }
0xad: {  	[dreg:$0x4] =	wrdreg $0x9  }
0xae: {  	_ =	task.clear_ibuf [dreg:s5], $0x5FFFF;
	_ =	strace $0x90000049  }
0xaf: {  	s26 =	simm.s32 $0x9;
	_ =	strace $0x8000004B  }
0xb0: {  	_ =	swait.ge [sflag:s26], $0x1  }
0xb1: {  	[sflag:s26] =	ssyncadd.s32 $0xFFFFFFFF  }
0xb2: {  	_ =	strace $0x9000004B  }
0xb3: {  	_ =	sfence  }
0xb4: {  	s28 =	sld [smem:$0x0];
	_ =	sdelay $0x1  }
0xb5: {  	s29 =	srdreg.scid  }
0xb6: {  	s30 =	sshll.u32 s29, $0xD;
	s31 =	sshrl.u32 s29, $0x2  }
0xb7: {  	s2 =	sand.u32 $0x4000, s30;
	s1 =	sand.u32 $0x1, s29;
	s0 =	sadd.s32 s31, s28  }
0xb8: {  	s1 =	sor.u32 s2, s1;
	s0 =	sshll.u32 s0, $0x11  }
0xb9: {  	s0 =	sor.u32 s0, s1  }
0xba: {  	s0 =	sadd.s32 $0x8F2B, s0  }
0xbb: {  	[sflag:s0] =	ssyncadd.remote.s32 $0x1  }
0xbc: {  	_ =	sfence.sel $0xFFFF  }
0xbd: {  	[dreg:$0x0] =	wrdreg $0xFFFFFFFF;
	(pc) =	sbr.abs _section_cstart, $3  }
0xbe: {  	[dreg:$0x1] =	wrdreg $0xFFFFFFFF  }
0xbf: {  	_ =	task.clear_ibuf [dreg:s5], $0x2FFFF;
	_ =	strace $0x9FFFFFFF  }
0xc0: {  	(tm) =	ssettm $0x7FFFFFFF  }
0xc1: {  	_ =	shalt  }
tec
execute0_lowered:
.L_overlay_start_1:
0x0: {  	(tag) =	ssettag $0x1  }
0x1: {  	s2 =	rddreg [dreg:$0x0]  }
0x2: {  	s8 =	rddreg [dreg:$0x1]  }
0x3: {  	s0 =	rddreg [dreg:$0x2]  }
0x4: {  	_ =	strace $0x8000004A;
	s4 =	simm.s32 $0x1;
	s1 =	stileid.u32  }
0x5: {  	s7 =	simm.s32 $0x1;
	s9 =	simm.s32 $0x1;
	s6 =	simm.s32 $0x2  }
0x6: {  	s10 =	simm.s32 $0x3;
	s13 =	simm.s32 $0x0;
	s12 =	simm.s32 $0x0  }
.Ltmp0:
0x7: {  	s3 =	sadd.s32 $0x2D200, s8;
	p0 =	slt.u32 s1, $0xA;
	(pc) =	sbr.rel .LBB2_1-.Ltmp0, $4  }
0x8: {  	[sflag:s4] =	ssyncpa.u1 $0x0;
	s7 =	simm.s32 @!p0 $0x0;
	p0 =	sne.s32 s1, $0x9  }
0x9: {  	s5 =	smul.u32 $0x190, s1;
	[sflag:s6] =	ssyncpa.u1 $0x0;
	s9 =	simm.s32 @!p0 $0x0  }
0xa: {  	s8 =	sadd.s32 $0x11400, s8;
	[sflag:s10] =	ssyncpa.u1 $0x0;
	s7 =	sadd.s32 s9, s7  }
0xb: {  	vm0 =	vmmov $0xffff;
	s10 =	simm.s32 $0x0;
	s11 =	smov.u32 s5;
	s9 =	sadd.s32 $0x1, s7  }
.LBB2_4:
0xc: {  	v2 =	vnsel vm1, $0x0, v2  }
0xd: {  	vm1 =	vgt.s32 v0, $0x0;
	v2 =	vmin.u32 v2, $0x270F  }
0xe: {  	v0 =	vnsel vm1, $0x0, v0  }
0xf: {  	v0 =	vmin.u32 v0, $0x270F  }
0x10: {  	[tilespmem:s18], [sflag:$0x1] =	stream.indirect_vreg.gather [hbm4b:s2+s10], $0x1, v1, vm0, $0x4038;
	[tilespmem:$0x640] =	vst v63  }
0x11: {  	(ifvalue) =	ssetifvalue $0x7FFFFFFF  }
0x12: {  	[tilespmem:s15], [sflag:$0x1] =	stream.indirect_vreg.gather [hbm4b:s2+s10], $0x1, v2, vm0, $0x4038;
	[tilespmem:$0x640] =	vst v63  }
0x13: {  	s29 =	sadd.s32 $0x10, s15;
	(ifvalue) =	ssetifvalue $0x7FFFFFFF  }
0x14: {  	[tilespmem:s29], [sflag:$0x1] =	stream.indirect_vreg.gather [hbm4b:s2+s10], $0x1, v0, vm0, $0x4038;
	[tilespmem:$0x640] =	vst v63  }
0x15: {  	_ =	swait.ge [sflag:s4], $0x190  }
0x16: {  	s30 =	sshrl.u32 s13, $0x3;
	[sflag:s4] =	ssyncset.done $0x0  }
0x17: {  	s31 =	sand.u32 $0x7, s13;
	s15 =	sadd.s32 s8, s30;
	[sflag:s4] =	ssyncadd.s32 $0xFFFFFE70  }
0x18: {  	[hbm4b:s15+s31] =	stream.linear.scatter [tilespmem:s14], [sflag:$0x3], $0x190, $0x38;
	[tilespmem:$0x640] =	vst v63  }
.LBB2_5:
0x19: {  	s15 =	sadd.s32 $0x1900, s11  }
0x1a: {  	p1 =	sgt.s32 s15, $0x270F  }
0x1b: {  	s15 =	smov.u32 @p1 s5;
	p1 =	sne.s32 s12, s9  }
.Ltmp1:
0x1c: {  	p0 =	slt.u32 s12, $0x2;
	(pc) =	sbr.rel @!p1 .LBB2_6-.Ltmp1, $4  }
0x1d: {  	s14 =	simm.s32 @!p0 $0x3  }
0x1e: {  	_ =	swait.ge @!p0 [sflag:s14], $0x190  }
0x1f: {  	s16 =	sadd.s32 $0x1, s12;
	s13 =	smov.u32 s11;
	[sflag:s14] =	ssyncset.done @!p0 $0x0  }
0x20: {  	s12 =	smov.u32 s16;
	s11 =	smov.u32 s15;
	[sflag:s14] =	ssyncadd.s32 @!p0 $0xFFFFFE70  }
.LBB2_1:
0x21: {  	p0 =	sge.u32 s12, s7  }
0x22: {  	s14 =	sxor.u32 @!p0 $0x1, s12  }
0x23: {  	s14 =	smul.u32 @!p0 $0x640, s14  }
0x24: {  	s31 =	sadd.s32 $0xFFFFFFFF, s12;
	s15 =	sshrl.u32 @!p0 s11, $0x3  }
0x25: {  	s16 =	sand.u32 @!p0 $0x7, s11;
	s15 =	sadd.s32 @!p0 s3, s15;
	s14 =	sshra.s32 @!p0 s14, $0x2  }
0x26: {  	[tilespmem:s14], [sflag:$0x2] =	stream.linear.gather @!p0 [hbm4b:s15+s16], $0x190, $0x38;
	[tilespmem:$0x640] =	vst v63  }
0x27: {  	p0 =	sge.u32 s31, s7  }
.Ltmp2:
0x28: {  	_ = 	snop;
	(pc) =	sbr.rel @p0 .LBB2_5-.Ltmp2, $1  }
0x29: {  	_ =	sdelay $0x3  }
0x2a: {  	s14 =	sand.u32 $0x1, s12  }
0x2b: {  	_ =	swait.ge [sflag:s6], $0x190;
	p0 =	seq.s32 s14, $0x1;
	s14 =	simm.s32 $0x190  }
0x2c: {  	[sflag:s6] =	ssyncset.done $0x0;
	s14 =	simm.s32 @!p0 $0x0  }
0x2d: {  	[sflag:s6] =	ssyncadd.s32 $0xFFFFFE70;
	(ifvalue) =	ssetifvalue $0x7FFFFFFF;
	v0 =	vld.msk [tilespmem:s14+$0x0 ss:$0x1], $0xffff;
	_ =	sdelay $0x4  }
0x2e: {  	s15 =	sadd.s32 $0x10, s14;
	vm1 =	vgt.s32 v0, $0x0  }
0x2f: {  	v2 =	vld.msk [tilespmem:s15+$0x0 ss:$0x1], $0xffff;
	v1 =	vnsel vm1, $0x0, v0  }
0x30: {  	v1 =	vmin.u32 v1, $0x270F;
	_ =	sdelay $0x2  }
0x31: {  	s17 =	simm.s32 $0x20;
	s14 =	sadd.s32 $0x320, s14;
	s16 =	sadd.s32 $0x10, s15  }
0x32: {  	s15 =	sadd.s32 $0x10, s14;
	s18 =	smov.u32 s14;
	v0 =	vld.msk [tilespmem:s16+$0x0 ss:$0x1], $0xffff;
	vm1 =	vgt.s32 v2, $0x0;
	(ifvalue) =	ssetifvalue $0x7FFFFFFF  }
.LBB2_3:
0x33: {  	[tilespmem:s18], [sflag:$0x1] =	stream.indirect_vreg.gather [hbm4b:s2+s10], $0x1, v1, vm0, $0x4038;
	[tilespmem:$0x640] =	vst v63  }
0x34: {  	s17 =	sadd.s32 $0x10, s17  }
0x35: {  	v2 =	vnsel vm1, $0x0, v2;
	p0 =	slt.u32 s17, $0x180  }
.Ltmp3:
0x36: {  	s18 =	smov.u32 s15;
	v1 =	vmin.u32 v2, $0x270F;
	(pc) =	sbr.rel @p0 .LBB2_3-.Ltmp3, $3  }
0x37: {  	_ =	sdelay $0x1  }
0x38: {  	s16 =	sadd.s32 $0x10, s16  }
0x39: {  	vm1 =	vgt.s32 v0, $0x0;
	s15 =	sadd.s32 $0x10, s15;
	v2 =	vmov v0;
	(ifvalue) =	ssetifvalue $0x7FFFFFFF;
	v0 =	vld.msk [tilespmem:s16+$0x0 ss:$0x1], $0xffff  }
.Ltmp4:
0x3a: {  	_ = 	snop;
	(pc) =	sbr.rel .LBB2_4-.Ltmp4, $1  }
0x3b: {  	_ =	sdelay $0x3  }
.LBB2_6:
0x3c: {  	_ =	sfence.sel $0x180000  }
0x3d: {  	s2 =	simm.s32 $0x2;
	[bflag:$0x0] =	sbarrier.arrive $0xFFFF  }
0x3e: {  	s30 =	simm.s32 $0x3;
	[sflag:s2] =	ssyncpa.u1 $0x1  }
0x3f: {  	s31 =	simm.s32 $0x1;
	[sflag:s30] =	ssyncpa.u1 $0x1  }
0x40: {  	[sflag:s31] =	ssyncpa.u1 $0x1  }
0x41: {  	p0 =	sne.s32 s1, $0x0;
	_ =	strace $0x9000004A  }
0x42: {  	s0 =	sadd.s32 @!p0 $0x100000, s0;
	[bflag:$0x2] =	sbarrier.arrive $0xFFFF  }
0x43: {  	[sflag:s0] =	ssyncadd.tile.s32 @!p0 $0x1;
	_ =	shalt  }
.Lfunc_end2:
_tile_overlayer_lowered:
.L_overlay_start_2:
0x44: {  	(tag) =	ssettag $0x2  }
0x45: {  	s0 =	rddreg [dreg:$0x0];
	s2 =	stileid.u32  }
0x46: {  	s1 =	rddreg [dreg:$0x1];
	p0 =	sne.s32 s2, $0x0  }
0x47: {  	s3 =	rddreg [dreg:$0x2];
	[bflag:$0x3] =	sbarrier.arrive $0xFFFF;
	s2 =	simm.s32 @!p0 $0x1C01  }
0x48: {  	[timem:s3], [sflag:s2] =	dma.local @!p0 [hbm:s0], s1  }
0x49: {  	s0 =	simm.s32 @!p0 $0x1  }
0x4a: {  	_ =	swait.ge @!p0 [sflag:s0], s1  }
0x4b: {  	s1 =	ssub.s32 @!p0 $0x0, s1;
	[sflag:s0] =	ssyncset.done @!p0 $0x0  }
0x4c: {  	[sflag:s0] =	ssyncadd.s32 @!p0 s1  }
0x4d: {  	[bflag:$0x3] =	sbarrier.arrive $0xFFFF  }
0x4e: {  	_ =	shalt  }

// kernel: gather_offload_async_start
scs
__scs_entry_jumppad:
0x0: {  	(pc) =	sbr.rel $0x88, $3  }
0x1: {  	(tag) =	ssettag $0x0;
	lr =	simm.s32 $0x1  }
0x2: {  	[smem:$0x3F86] =	sst lr;
	_ =	strace $0xD0000000  }
0x3: {  	_ = 	snop  }
0x4: {  	_ = 	snop  }
0x5: {  	_ = 	snop  }
0x6: {  	_ = 	snop  }
0x7: {  	_ = 	snop  }
__scs_overlays_trampoline_lowered:
0x8: {  	[smem:$0x3F95] =	sst s0  }
0x9: {  	[smem:$0x3F96] =	sst s1  }
0xa: {  	[smem:$0x3F97] =	sst s2  }
0xb: {  	[smem:$0x3F98] =	sst s3  }
0xc: {  	[smem:$0x3F99] =	sst s4  }
0xd: {  	[smem:$0x3F9A] =	sst s5  }
0xe: {  	[smem:$0x3F9B] =	sst s6  }
0xf: {  	[smem:$0x3F9C] =	sst s7  }
0x10: {  	[smem:$0x3F9D] =	sst s8  }
0x11: {  	[smem:$0x3F9E] =	sst s9;
	s0 =	simm.s32 @!p0 $0x0  }
0x12: {  	s1 =	sld [smem:$0x3F84];
	s0 =	simm.s32 @p0 $0x1  }
0x13: {  	[smem:$0x3F9F] =	sst s0;
	s0 =	simm.s32 @!p1 $0x0  }
0x14: {  	s2 =	sld [smem:$0x3F83];
	s0 =	simm.s32 @p1 $0x1  }
0x15: {  	[smem:$0x3FA0] =	sst s0;
	s0 =	simm.s32 @!p2 $0x0  }
0x16: {  	s3 =	sld [smem:$0x3FDB];
	s0 =	simm.s32 @p2 $0x1  }
0x17: {  	s4 =	simm.s32 $0x1BF5;
	[smem:$0x3FA2] =	sst s0  }
0x18: {  	s0 =	sld [smem:$0x3F85];
	_ =	swait.ge [sflag:s4], $0x0  }
0x19: {  	s7 =	sld [smem:$0x3F86]  }
0x1a: {  	s8 =	sadd.s32 $0xFFFFE003, lr  }
0x1b: {  	s9 =	sadd.s32 $0xFFFFFEF7, lr;
	s5 =	simm.s32 $0xFFFFFFFF;
	p2 =	slt.u32 s8, $0xFFFFF086  }
0x1c: {  	p1 =	slt.u32 s9, $0xF7A;
	s5 =	simm.s32 @!p2 $0x0  }
0x1d: {  	s5 =	simm.s32 @p1 $0x1;
	p0 =	seq.s32 s7, s2  }
0x1e: {  	s7 =	smul.u32 @!p0 $0xF7A, s2;
	p2 =	seq.s32 @!p0 s5, $0x0  }
0x1f: {  	s9 =	smul.u32 $0xF7A, s1;
	s8 =	simm.s32 @!p0 $0x1BF5;
	p2 =	por !p2, p0  }
0x20: {  	[sflag:s8] =	ssyncset.s32 @!p0 $0xFFFFF086;
	s6 =	sadd.s32 @!p0 s3, s7;
	s7 =	simm.s32 @!p0 $0x108  }
0x21: {  	s3 =	sadd.s32 s3, s9;
	s6 =	sadd.s32 @!p0 $0x88, s6;
	s7 =	simm.s32 @p2 $0x1082  }
0x22: {  	[simem:s7], [sflag:s8] =	dma.local @!p0 [hbm:s6], $0xF7A  }
0x23: {  	s9 =	sor.u32 $0xD0000000, s2;
	s6 =	simm.s32 $0x108;
	_ =	swait.ge @!p0 [sflag:s8], $0x0  }
0x24: {  	s3 =	sadd.s32 $0x88, s3;
	s6 =	simm.s32 @!p1 $0x1082;
	[sflag:s4] =	ssyncset.s32 $0xFFFFF086  }
0x25: {  	[simem:s6], [sflag:s4] =	dma.local [hbm:s3], $0xF7A  }
0x26: {  	[smem:$0x3F86] =	sst s1;
	(tag) =	ssettag s2;
	_ =	strace s9  }
0x27: {  	s1 =	sld [smem:$0x3F96]  }
0x28: {  	s2 =	sld [smem:$0x3F97]  }
0x29: {  	s4 =	sld [smem:$0x3F99]  }
0x2a: {  	p0 =	seq.s32 s5, $0x0;
	s5 =	sld [smem:$0x3F9A]  }
0x2b: {  	s6 =	sld [smem:$0x3F9B]  }
0x2c: {  	s7 =	sld [smem:$0x3F9C]  }
0x2d: {  	s3 =	simm.s32 $0x108;
	s8 =	sld [smem:$0x3F9D]  }
0x2e: {  	s3 =	simm.s32 @!p0 $0x1082;
	s9 =	sld [smem:$0x3F9E]  }
0x2f: {  	lr =	sadd.s32 s0, s3;
	s0 =	sld [smem:$0x3F95]  }
0x30: {  	s3 =	sld [smem:$0x3F98]  }
0x31: {  	[smem:$0x3FA1] =	sst s10  }
0x32: {  	s10 =	sld [smem:$0x3F9F];
	_ =	sdelay $0x3  }
0x33: {  	p0 =	seq.s32 s10, $0x1;
	s10 =	sld [smem:$0x3FA1];
	_ =	sdelay $0x3  }
0x34: {  	[smem:$0x3FA1] =	sst s10  }
0x35: {  	s10 =	sld [smem:$0x3FA0];
	_ =	sdelay $0x3  }
0x36: {  	p1 =	seq.s32 s10, $0x1;
	s10 =	sld [smem:$0x3FA1];
	_ =	sdelay $0x3  }
0x37: {  	[smem:$0x3FA1] =	sst s10  }
0x38: {  	s10 =	sld [smem:$0x3FA2]  }
0x39: {  	_ = 	snop;
	(pc) =	sbr.ind lr, $3  }
0x3a: {  	_ = 	snop  }
0x3b: {  	_ = 	snop  }
0x3c: {  	p2 =	seq.s32 s10, $0x1;
	s10 =	sld [smem:$0x3FA1]  }
0x3d: {  	_ =	shalt  }
0x3e: {  	_ =	shalt  }
0x3f: {  	_ =	shalt  }
0x40: {  	_ =	shalt  }
0x41: {  	_ =	shalt  }
0x42: {  	_ =	shalt  }
0x43: {  	_ =	shalt  }
0x44: {  	_ =	shalt  }
0x45: {  	_ =	shalt  }
0x46: {  	_ =	shalt  }
0x47: {  	_ =	shalt  }
0x48: {  	_ =	shalt  }
0x49: {  	_ =	shalt  }
0x4a: {  	_ =	shalt  }
0x4b: {  	_ =	shalt  }
0x4c: {  	_ =	shalt  }
0x4d: {  	_ =	shalt  }
0x4e: {  	_ =	shalt  }
0x4f: {  	_ =	shalt  }
0x50: {  	_ =	shalt  }
0x51: {  	_ =	shalt  }
0x52: {  	_ =	shalt  }
0x53: {  	_ =	shalt  }
0x54: {  	_ =	shalt  }
0x55: {  	_ =	shalt  }
0x56: {  	_ =	shalt  }
0x57: {  	_ =	shalt  }
0x58: {  	_ =	shalt  }
0x59: {  	_ =	shalt  }
0x5a: {  	_ =	shalt  }
0x5b: {  	_ =	shalt  }
0x5c: {  	_ =	shalt  }
0x5d: {  	_ =	shalt  }
0x5e: {  	_ =	shalt  }
0x5f: {  	_ =	shalt  }
0x60: {  	_ =	shalt  }
0x61: {  	_ =	shalt  }
0x62: {  	_ =	shalt  }
0x63: {  	_ =	shalt  }
0x64: {  	_ =	shalt  }
0x65: {  	_ =	shalt  }
0x66: {  	_ =	shalt  }
0x67: {  	_ =	shalt  }
0x68: {  	_ =	shalt  }
0x69: {  	_ =	shalt  }
0x6a: {  	_ =	shalt  }
0x6b: {  	_ =	shalt  }
0x6c: {  	_ =	shalt  }
0x6d: {  	_ =	shalt  }
0x6e: {  	_ =	shalt  }
0x6f: {  	_ =	shalt  }
0x70: {  	_ =	shalt  }
0x71: {  	_ =	shalt  }
0x72: {  	_ =	shalt  }
0x73: {  	_ =	shalt  }
0x74: {  	_ =	shalt  }
0x75: {  	_ =	shalt  }
0x76: {  	_ =	shalt  }
0x77: {  	_ =	shalt  }
0x78: {  	_ =	shalt  }
0x79: {  	_ =	shalt  }
0x7a: {  	_ =	shalt  }
0x7b: {  	_ =	shalt  }
0x7c: {  	_ =	shalt  }
0x7d: {  	_ =	shalt  }
0x7e: {  	_ =	shalt  }
0x7f: {  	_ =	shalt  }
0x80: {  	_ =	shalt  }
0x81: {  	_ =	shalt  }
0x82: {  	_ =	shalt  }
0x83: {  	_ =	shalt  }
0x84: {  	_ =	shalt  }
0x85: {  	_ =	shalt  }
0x86: {  	_ =	shalt  }
0x87: {  	_ =	shalt  }
.Lfunc_end0:
.L_simem_size_0:
called_computation_lowered:
.L_overlay_start_0:
0x88: {  	s0 =	sld [smem:$0x3FD9]  }
0x89: {  	s1 =	sld [smem:$0x3FFE];
	_ =	sdelay $0x3  }
0x8a: {  	s0 =	sadd.s32 s1, s0  }
0x8b: {  	[smem:$0x3FAD] =	sst s0  }
0x8c: {  	_ = 	snop  }
0x8d: {  	(tm) =	ssettm $0x1  }
0x8e: {  	s15 =	sld [smem:$0x3FFB];
	_ =	sdelay $0x3  }
0x8f: {  	_ =	strace s15  }
0x90: {  	s0 =	sld [smem:$0x3FFC];
	_ =	sdelay $0x3  }
0x91: {  	_ =	strace s0  }
0x92: {  	s0 =	sld [smem:$0x3FFD];
	_ =	sdelay $0x3  }
0x93: {  	_ =	strace s0  }
0x94: {  	_ =	strace $0x8FFFFFFF  }
0x95: {  	s16 =	sld [smem:$0x3FDB];
	_ =	sdelay $0x1  }
0x96: {  	s17 =	simm.s32 $_scs_section_size  }
0x97: {  	s2 =	simm.s32 $_size__tile_overlayer_lowered;
	s3 =	simm.s32 $_tile_overlayer_lowered  }
0x98: {  	s20 =	simm.s32 $0x1BFF;
	s19 =	sshll.u32 s3, $0x1;
	s0 =	sadd.s32 s17, s16  }
0x99: {  	s4 =	simm.s32 $0x0;
	s18 =	sshll.u32 s2, $0x1;
	s2 =	sadd.s32 s19, s0  }
0x9a: {  	[timem:s4], [sflag:s20] =	dma.local [hbm:s2], s18  }
0x9b: {  	_ =	swait.ge [sflag:s20], s18  }
0x9c: {  	s1 =	ssub.s32 $0x0, s18;
	[sflag:s20] =	ssyncset.done $0x0  }
0x9d: {  	[sflag:s20] =	ssyncadd.s32 s1;
	_ =	sdelay $0x1  }
0x9e: {  	s21 =	simm.s32 $0x1B8B  }
0x9f: {  	_ =	swait.ge [sflag:s21], $0x1  }
0xa0: {  	[sflag:s21] =	ssyncset.done $0x0  }
0xa1: {  	s23 =	simm.s32 $0x1B8E;
	s22 =	sld [smem:$0x3FFE];
	[sflag:s21] =	ssyncadd.s32 $0xFFFFFFFF  }
0xa2: {  	s24 =	simm.s32 $execute0_lowered;
	[smem:$0x3FD2] =	sst s23  }
0xa3: {  	s2 =	sshll.u32 s24, $0x1;
	_ =	strace $0x8000004F;
	[dreg:$0x1] =	wrdreg $0xFFFFFFFF  }
0xa4: {  	s25 =	simm.s32 $_size_execute0_lowered;
	s0 =	sadd.s32 s0, s2;
	[dreg:$0x0] =	wrdreg $0x0  }
0xa5: {  	s2 =	sshll.u32 s25, $0x1;
	[dreg:$0x2] =	wrdreg s0  }
0xa6: {  	[dreg:$0x3] =	wrdreg s2  }
0xa7: {  	[dreg:$0x4] =	wrdreg $0xC0  }
0xa8: {  	_ =	task [dreg:s4], $0x5FFFF  }
0xa9: {  	[dreg:$0x1] =	wrdreg $0xFFFFFFFF  }
0xaa: {  	[dreg:$0x0] =	wrdreg $0x60  }
0xab: {  	[dreg:$0x2] =	wrdreg s22  }
0xac: {  	[dreg:$0x3] =	wrdreg $0x9  }
0xad: {  	_ =	task.clear_ibuf [dreg:s4], $0x4FFFF;
	_ =	strace $0x9000004F  }
0xae: {  	s26 =	simm.s32 $0x9;
	_ =	strace $0x80000051  }
0xaf: {  	_ =	swait.ge [sflag:s26], $0x1  }
0xb0: {  	[sflag:s26] =	ssyncadd.s32 $0xFFFFFFFF  }
0xb1: {  	_ =	strace $0x90000051  }
0xb2: {  	_ =	sfence  }
0xb3: {  	s28 =	sld [smem:$0x0];
	_ =	sdelay $0x1  }
0xb4: {  	s29 =	srdreg.scid  }
0xb5: {  	s30 =	sshll.u32 s29, $0xD;
	s31 =	sshrl.u32 s29, $0x2  }
0xb6: {  	s1 =	sand.u32 $0x1, s29;
	s2 =	sand.u32 $0x4000, s30;
	s0 =	sadd.s32 s31, s28  }
0xb7: {  	s1 =	sor.u32 s2, s1;
	s0 =	sshll.u32 s0, $0x11  }
0xb8: {  	s0 =	sor.u32 s0, s1  }
0xb9: {  	s0 =	sadd.s32 $0x8F2B, s0  }
0xba: {  	[sflag:s0] =	ssyncadd.remote.s32 $0x1  }
0xbb: {  	_ =	sfence.sel $0xFFFF  }
0xbc: {  	[dreg:$0x0] =	wrdreg $0xFFFFFFFF;
	(pc) =	sbr.abs _section_cstart, $3  }
0xbd: {  	[dreg:$0x1] =	wrdreg $0xFFFFFFFF  }
0xbe: {  	_ =	task.clear_ibuf [dreg:s4], $0x2FFFF;
	_ =	strace $0x9FFFFFFF  }
0xbf: {  	(tm) =	ssettm $0x7FFFFFFF  }
tec
execute0_lowered:
.L_overlay_start_1:
0x0: {  	(tag) =	ssettag $0x1  }
0x1: {  	s8 =	rddreg [dreg:$0x0]  }
0x2: {  	s0 =	rddreg [dreg:$0x1];
	_ =	strace $0x80000050  }
0x3: {  	s4 =	simm.s32 $0x1;
	s1 =	stileid.u32;
	s7 =	simm.s32 $0x1  }
0x4: {  	s9 =	simm.s32 $0x1;
	s6 =	simm.s32 $0x2;
	s10 =	simm.s32 $0x3  }
0x5: {  	s13 =	simm.s32 $0x0;
	s12 =	simm.s32 $0x0;
	s2 =	sadd.s32 $0x6C00, s8  }
.Ltmp0:
0x6: {  	s3 =	sadd.s32 $0xC400, s8;
	p0 =	slt.u32 s1, $0xA;
	(pc) =	sbr.rel .LBB2_1-.Ltmp0, $4  }
0x7: {  	[sflag:s4] =	ssyncpa.u1 $0x0;
	s7 =	simm.s32 @!p0 $0x0;
	p0 =	sne.s32 s1, $0x9  }
0x8: {  	s5 =	smul.u32 $0x190, s1;
	[sflag:s6] =	ssyncpa.u1 $0x0;
	s9 =	simm.s32 @!p0 $0x0  }
0x9: {  	s8 =	sadd.s32 $0xCA00, s8;
	[sflag:s10] =	ssyncpa.u1 $0x0;
	s7 =	sadd.s32 s9, s7  }
0xa: {  	vm0 =	vmmov $0xffff;
	s10 =	simm.s32 $0x0;
	s11 =	smov.u32 s5;
	s9 =	sadd.s32 $0x1, s7  }
.LBB2_4:
0xb: {  	v2 =	vnsel vm1, $0x0, v2  }
0xc: {  	vm1 =	vgt.s32 v0, $0x0;
	v2 =	vmin.u32 v2, $0x270F  }
0xd: {  	v0 =	vnsel vm1, $0x0, v0  }
0xe: {  	v0 =	vmin.u32 v0, $0x270F  }
0xf: {  	[tilespmem:s18], [sflag:$0x1] =	stream.indirect_vreg.gather [hbm4b:s2+s10], $0x1, v1, vm0, $0x4038;
	[tilespmem:$0x640] =	vst v63  }
0x10: {  	(ifvalue) =	ssetifvalue $0x7FFFFFFF  }
0x11: {  	[tilespmem:s15], [sflag:$0x1] =	stream.indirect_vreg.gather [hbm4b:s2+s10], $0x1, v2, vm0, $0x4038;
	[tilespmem:$0x640] =	vst v63  }
0x12: {  	s29 =	sadd.s32 $0x10, s15;
	(ifvalue) =	ssetifvalue $0x7FFFFFFF  }
0x13: {  	[tilespmem:s29], [sflag:$0x1] =	stream.indirect_vreg.gather [hbm4b:s2+s10], $0x1, v0, vm0, $0x4038;
	[tilespmem:$0x640] =	vst v63  }
0x14: {  	_ =	swait.ge [sflag:s4], $0x190  }
0x15: {  	s30 =	sshrl.u32 s13, $0x3;
	[sflag:s4] =	ssyncset.done $0x0  }
0x16: {  	s31 =	sand.u32 $0x7, s13;
	s15 =	sadd.s32 s8, s30;
	[sflag:s4] =	ssyncadd.s32 $0xFFFFFE70  }
0x17: {  	[hbm4b:s15+s31] =	stream.linear.scatter [tilespmem:s14], [sflag:$0x3], $0x190, $0x38;
	[tilespmem:$0x640] =	vst v63  }
.LBB2_5:
0x18: {  	s15 =	sadd.s32 $0x1900, s11  }
0x19: {  	p1 =	sgt.s32 s15, $0x270F  }
0x1a: {  	s15 =	smov.u32 @p1 s5;
	p1 =	sne.s32 s12, s9  }
.Ltmp1:
0x1b: {  	p0 =	slt.u32 s12, $0x2;
	(pc) =	sbr.rel @!p1 .LBB2_6-.Ltmp1, $4  }
0x1c: {  	s14 =	simm.s32 @!p0 $0x3  }
0x1d: {  	_ =	swait.ge @!p0 [sflag:s14], $0x190  }
0x1e: {  	s16 =	sadd.s32 $0x1, s12;
	s13 =	smov.u32 s11;
	[sflag:s14] =	ssyncset.done @!p0 $0x0  }
0x1f: {  	s12 =	smov.u32 s16;
	s11 =	smov.u32 s15;
	[sflag:s14] =	ssyncadd.s32 @!p0 $0xFFFFFE70  }
.LBB2_1:
0x20: {  	p0 =	sge.u32 s12, s7  }
0x21: {  	s14 =	sxor.u32 @!p0 $0x1, s12  }
0x22: {  	s14 =	smul.u32 @!p0 $0x640, s14  }
0x23: {  	s31 =	sadd.s32 $0xFFFFFFFF, s12;
	s15 =	sshrl.u32 @!p0 s11, $0x3  }
0x24: {  	s16 =	sand.u32 @!p0 $0x7, s11;
	s15 =	sadd.s32 @!p0 s3, s15;
	s14 =	sshra.s32 @!p0 s14, $0x2  }
0x25: {  	[tilespmem:s14], [sflag:$0x2] =	stream.linear.gather @!p0 [hbm4b:s15+s16], $0x190, $0x38;
	[tilespmem:$0x640] =	vst v63  }
0x26: {  	p0 =	sge.u32 s31, s7  }
.Ltmp2:
0x27: {  	_ = 	snop;
	(pc) =	sbr.rel @p0 .LBB2_5-.Ltmp2, $1  }
0x28: {  	_ =	sdelay $0x3  }
0x29: {  	s14 =	sand.u32 $0x1, s12  }
0x2a: {  	_ =	swait.ge [sflag:s6], $0x190;
	p0 =	seq.s32 s14, $0x1;
	s14 =	simm.s32 $0x190  }
0x2b: {  	[sflag:s6] =	ssyncset.done $0x0;
	s14 =	simm.s32 @!p0 $0x0  }
0x2c: {  	[sflag:s6] =	ssyncadd.s32 $0xFFFFFE70;
	(ifvalue) =	ssetifvalue $0x7FFFFFFF;
	v0 =	vld.msk [tilespmem:s14+$0x0 ss:$0x1], $0xffff;
	_ =	sdelay $0x4  }
0x2d: {  	s15 =	sadd.s32 $0x10, s14;
	vm1 =	vgt.s32 v0, $0x0  }
0x2e: {  	v2 =	vld.msk [tilespmem:s15+$0x0 ss:$0x1], $0xffff;
	v1 =	vnsel vm1, $0x0, v0  }
0x2f: {  	v1 =	vmin.u32 v1, $0x270F;
	_ =	sdelay $0x2  }
0x30: {  	s17 =	simm.s32 $0x20;
	s14 =	sadd.s32 $0x320, s14;
	s16 =	sadd.s32 $0x10, s15  }
0x31: {  	s15 =	sadd.s32 $0x10, s14;
	s18 =	smov.u32 s14;
	v0 =	vld.msk [tilespmem:s16+$0x0 ss:$0x1], $0xffff;
	vm1 =	vgt.s32 v2, $0x0;
	(ifvalue) =	ssetifvalue $0x7FFFFFFF  }
.LBB2_3:
0x32: {  	[tilespmem:s18], [sflag:$0x1] =	stream.indirect_vreg.gather [hbm4b:s2+s10], $0x1, v1, vm0, $0x4038;
	[tilespmem:$0x640] =	vst v63  }
0x33: {  	s17 =	sadd.s32 $0x10, s17  }
0x34: {  	v2 =	vnsel vm1, $0x0, v2;
	p0 =	slt.u32 s17, $0x180  }
.Ltmp3:
0x35: {  	s18 =	smov.u32 s15;
	v1 =	vmin.u32 v2, $0x270F;
	(pc) =	sbr.rel @p0 .LBB2_3-.Ltmp3, $3  }
0x36: {  	_ =	sdelay $0x1  }
0x37: {  	s16 =	sadd.s32 $0x10, s16  }
0x38: {  	vm1 =	vgt.s32 v0, $0x0;
	s15 =	sadd.s32 $0x10, s15;
	v2 =	vmov v0;
	(ifvalue) =	ssetifvalue $0x7FFFFFFF;
	v0 =	vld.msk [tilespmem:s16+$0x0 ss:$0x1], $0xffff  }
.Ltmp4:
0x39: {  	_ = 	snop;
	(pc) =	sbr.rel .LBB2_4-.Ltmp4, $1  }
0x3a: {  	_ =	sdelay $0x3  }
.LBB2_6:
0x3b: {  	_ =	sfence.sel $0x180000  }
0x3c: {  	s2 =	simm.s32 $0x2;
	[bflag:$0x0] =	sbarrier.arrive $0xFFFF  }
0x3d: {  	s30 =	simm.s32 $0x3;
	[sflag:s2] =	ssyncpa.u1 $0x1  }
0x3e: {  	s31 =	simm.s32 $0x1;
	[sflag:s30] =	ssyncpa.u1 $0x1  }
0x3f: {  	[sflag:s31] =	ssyncpa.u1 $0x1  }
0x40: {  	p0 =	sne.s32 s1, $0x0;
	_ =	strace $0x90000050  }
0x41: {  	s0 =	sadd.s32 @!p0 $0x100000, s0;
	[bflag:$0x2] =	sbarrier.arrive $0xFFFF  }
0x42: {  	[sflag:s0] =	ssyncadd.tile.s32 @!p0 $0x1;
	_ =	shalt  }
.Lfunc_end2:
_tile_overlayer_lowered:
.L_overlay_start_2:
0x43: {  	(tag) =	ssettag $0x2  }
0x44: {  	s0 =	rddreg [dreg:$0x0];
	s2 =	stileid.u32  }
0x45: {  	s1 =	rddreg [dreg:$0x1];
	p0 =	sne.s32 s2, $0x0  }
0x46: {  	s3 =	rddreg [dreg:$0x2];
	[bflag:$0x3] =	sbarrier.arrive $0xFFFF;
	s2 =	simm.s32 @!p0 $0x1C01  }
0x47: {  	[timem:s3], [sflag:s2] =	dma.local @!p0 [hbm:s0], s1  }
0x48: {  	s0 =	simm.s32 @!p0 $0x1  }
0x49: {  	_ =	swait.ge @!p0 [sflag:s0], s1  }
0x4a: {  	s1 =	ssub.s32 @!p0 $0x0, s1;
	[sflag:s0] =	ssyncset.done @!p0 $0x0  }
0x4b: {  	[sflag:s0] =	ssyncadd.s32 @!p0 s1  }
0x4c: {  	[bflag:$0x3] =	sbarrier.arrive $0xFFFF  }
0x4d: {  	_ =	shalt  }

// kernel: kernel.6.cloned.1.call-start
scs
__scs_entry_jumppad:
0x0: {  	(pc) =	sbr.rel $0x88, $3  }
0x1: {  	(tag) =	ssettag $0x0;
	lr =	simm.s32 $0x1  }
0x2: {  	[smem:$0x3F86] =	sst lr;
	_ =	strace $0xD0000000  }
0x3: {  	_ = 	snop  }
0x4: {  	_ = 	snop  }
0x5: {  	_ = 	snop  }
0x6: {  	_ = 	snop  }
0x7: {  	_ = 	snop  }
__scs_overlays_trampoline_lowered:
0x8: {  	[smem:$0x3F95] =	sst s0  }
0x9: {  	[smem:$0x3F96] =	sst s1  }
0xa: {  	[smem:$0x3F97] =	sst s2  }
0xb: {  	[smem:$0x3F98] =	sst s3  }
0xc: {  	[smem:$0x3F99] =	sst s4  }
0xd: {  	[smem:$0x3F9A] =	sst s5  }
0xe: {  	[smem:$0x3F9B] =	sst s6  }
0xf: {  	[smem:$0x3F9C] =	sst s7  }
0x10: {  	[smem:$0x3F9D] =	sst s8  }
0x11: {  	[smem:$0x3F9E] =	sst s9;
	s0 =	simm.s32 @!p0 $0x0  }
0x12: {  	s1 =	sld [smem:$0x3F84];
	s0 =	simm.s32 @p0 $0x1  }
0x13: {  	[smem:$0x3F9F] =	sst s0;
	s0 =	simm.s32 @!p1 $0x0  }
0x14: {  	s2 =	sld [smem:$0x3F83];
	s0 =	simm.s32 @p1 $0x1  }
0x15: {  	[smem:$0x3FA0] =	sst s0;
	s0 =	simm.s32 @!p2 $0x0  }
0x16: {  	s3 =	sld [smem:$0x3FDB];
	s0 =	simm.s32 @p2 $0x1  }
0x17: {  	s4 =	simm.s32 $0x1BF5;
	[smem:$0x3FA2] =	sst s0  }
0x18: {  	s0 =	sld [smem:$0x3F85];
	_ =	swait.ge [sflag:s4], $0x0  }
0x19: {  	s7 =	sld [smem:$0x3F86]  }
0x1a: {  	s8 =	sadd.s32 $0xFFFFE003, lr  }
0x1b: {  	s9 =	sadd.s32 $0xFFFFFEF7, lr;
	s5 =	simm.s32 $0xFFFFFFFF;
	p2 =	slt.u32 s8, $0xFFFFF086  }
0x1c: {  	p1 =	slt.u32 s9, $0xF7A;
	s5 =	simm.s32 @!p2 $0x0  }
0x1d: {  	s5 =	simm.s32 @p1 $0x1;
	p0 =	seq.s32 s7, s2  }
0x1e: {  	s7 =	smul.u32 @!p0 $0xF7A, s2;
	p2 =	seq.s32 @!p0 s5, $0x0  }
0x1f: {  	s9 =	smul.u32 $0xF7A, s1;
	s8 =	simm.s32 @!p0 $0x1BF5;
	p2 =	por !p2, p0  }
0x20: {  	[sflag:s8] =	ssyncset.s32 @!p0 $0xFFFFF086;
	s6 =	sadd.s32 @!p0 s3, s7;
	s7 =	simm.s32 @!p0 $0x108  }
0x21: {  	s3 =	sadd.s32 s3, s9;
	s6 =	sadd.s32 @!p0 $0x88, s6;
	s7 =	simm.s32 @p2 $0x1082  }
0x22: {  	[simem:s7], [sflag:s8] =	dma.local @!p0 [hbm:s6], $0xF7A  }
0x23: {  	s9 =	sor.u32 $0xD0000000, s2;
	s6 =	simm.s32 $0x108;
	_ =	swait.ge @!p0 [sflag:s8], $0x0  }
0x24: {  	s3 =	sadd.s32 $0x88, s3;
	s6 =	simm.s32 @!p1 $0x1082;
	[sflag:s4] =	ssyncset.s32 $0xFFFFF086  }
0x25: {  	[simem:s6], [sflag:s4] =	dma.local [hbm:s3], $0xF7A  }
0x26: {  	[smem:$0x3F86] =	sst s1;
	(tag) =	ssettag s2;
	_ =	strace s9  }
0x27: {  	s1 =	sld [smem:$0x3F96]  }
0x28: {  	s2 =	sld [smem:$0x3F97]  }
0x29: {  	s4 =	sld [smem:$0x3F99]  }
0x2a: {  	p0 =	seq.s32 s5, $0x0;
	s5 =	sld [smem:$0x3F9A]  }
0x2b: {  	s6 =	sld [smem:$0x3F9B]  }
0x2c: {  	s7 =	sld [smem:$0x3F9C]  }
0x2d: {  	s3 =	simm.s32 $0x108;
	s8 =	sld [smem:$0x3F9D]  }
0x2e: {  	s3 =	simm.s32 @!p0 $0x1082;
	s9 =	sld [smem:$0x3F9E]  }
0x2f: {  	lr =	sadd.s32 s0, s3;
	s0 =	sld [smem:$0x3F95]  }
0x30: {  	s3 =	sld [smem:$0x3F98]  }
0x31: {  	[smem:$0x3FA1] =	sst s10  }
0x32: {  	s10 =	sld [smem:$0x3F9F];
	_ =	sdelay $0x3  }
0x33: {  	p0 =	seq.s32 s10, $0x1;
	s10 =	sld [smem:$0x3FA1];
	_ =	sdelay $0x3  }
0x34: {  	[smem:$0x3FA1] =	sst s10  }
0x35: {  	s10 =	sld [smem:$0x3FA0];
	_ =	sdelay $0x3  }
0x36: {  	p1 =	seq.s32 s10, $0x1;
	s10 =	sld [smem:$0x3FA1];
	_ =	sdelay $0x3  }
0x37: {  	[smem:$0x3FA1] =	sst s10  }
0x38: {  	s10 =	sld [smem:$0x3FA2]  }
0x39: {  	_ = 	snop;
	(pc) =	sbr.ind lr, $3  }
0x3a: {  	_ = 	snop  }
0x3b: {  	_ = 	snop  }
0x3c: {  	p2 =	seq.s32 s10, $0x1;
	s10 =	sld [smem:$0x3FA1]  }
0x3d: {  	_ =	shalt  }
0x3e: {  	_ =	shalt  }
0x3f: {  	_ =	shalt  }
0x40: {  	_ =	shalt  }
0x41: {  	_ =	shalt  }
0x42: {  	_ =	shalt  }
0x43: {  	_ =	shalt  }
0x44: {  	_ =	shalt  }
0x45: {  	_ =	shalt  }
0x46: {  	_ =	shalt  }
0x47: {  	_ =	shalt  }
0x48: {  	_ =	shalt  }
0x49: {  	_ =	shalt  }
0x4a: {  	_ =	shalt  }
0x4b: {  	_ =	shalt  }
0x4c: {  	_ =	shalt  }
0x4d: {  	_ =	shalt  }
0x4e: {  	_ =	shalt  }
0x4f: {  	_ =	shalt  }
0x50: {  	_ =	shalt  }
0x51: {  	_ =	shalt  }
0x52: {  	_ =	shalt  }
0x53: {  	_ =	shalt  }
0x54: {  	_ =	shalt  }
0x55: {  	_ =	shalt  }
0x56: {  	_ =	shalt  }
0x57: {  	_ =	shalt  }
0x58: {  	_ =	shalt  }
0x59: {  	_ =	shalt  }
0x5a: {  	_ =	shalt  }
0x5b: {  	_ =	shalt  }
0x5c: {  	_ =	shalt  }
0x5d: {  	_ =	shalt  }
0x5e: {  	_ =	shalt  }
0x5f: {  	_ =	shalt  }
0x60: {  	_ =	shalt  }
0x61: {  	_ =	shalt  }
0x62: {  	_ =	shalt  }
0x63: {  	_ =	shalt  }
0x64: {  	_ =	shalt  }
0x65: {  	_ =	shalt  }
0x66: {  	_ =	shalt  }
0x67: {  	_ =	shalt  }
0x68: {  	_ =	shalt  }
0x69: {  	_ =	shalt  }
0x6a: {  	_ =	shalt  }
0x6b: {  	_ =	shalt  }
0x6c: {  	_ =	shalt  }
0x6d: {  	_ =	shalt  }
0x6e: {  	_ =	shalt  }
0x6f: {  	_ =	shalt  }
0x70: {  	_ =	shalt  }
0x71: {  	_ =	shalt  }
0x72: {  	_ =	shalt  }
0x73: {  	_ =	shalt  }
0x74: {  	_ =	shalt  }
0x75: {  	_ =	shalt  }
0x76: {  	_ =	shalt  }
0x77: {  	_ =	shalt  }
0x78: {  	_ =	shalt  }
0x79: {  	_ =	shalt  }
0x7a: {  	_ =	shalt  }
0x7b: {  	_ =	shalt  }
0x7c: {  	_ =	shalt  }
0x7d: {  	_ =	shalt  }
0x7e: {  	_ =	shalt  }
0x7f: {  	_ =	shalt  }
0x80: {  	_ =	shalt  }
0x81: {  	_ =	shalt  }
0x82: {  	_ =	shalt  }
0x83: {  	_ =	shalt  }
0x84: {  	_ =	shalt  }
0x85: {  	_ =	shalt  }
0x86: {  	_ =	shalt  }
0x87: {  	_ =	shalt  }
.Lfunc_end0:
.L_simem_size_0:
called_computation.4_lowered:
.L_overlay_start_0:
0x88: {  	s2 =	sld [smem:$0x3FD9]  }
0x89: {  	s3 =	sld [smem:$0x3FFE];
	_ =	sdelay $0x1  }
0x8a: {  	s1 =	srdreg.scid  }
0x8b: {  	s0 =	sand.u32 $0x1, s1  }
0x8c: {  	s17 =	sshll.u32 s0, $0xA;
	s2 =	sadd.s32 s3, s2  }
0x8d: {  	s2 =	sadd.s32 s2, s17  }
0x8e: {  	[smem:$0x3FAD] =	sst s2  }
0x8f: {  	_ = 	snop  }
0x90: {  	(tm) =	ssettm $0x1  }
0x91: {  	s18 =	sld [smem:$0x3FFB];
	_ =	sdelay $0x3  }
0x92: {  	_ =	strace s18  }
0x93: {  	s2 =	sld [smem:$0x3FFC];
	_ =	sdelay $0x3  }
0x94: {  	_ =	strace s2  }
0x95: {  	s2 =	sld [smem:$0x3FFD];
	_ =	sdelay $0x3  }
0x96: {  	_ =	strace s2  }
0x97: {  	_ =	strace $0x8FFFFFFF  }
0x98: {  	s19 =	sld [smem:$0x3FDB];
	_ =	sdelay $0x1  }
0x99: {  	s20 =	simm.s32 $_scs_section_size  }
0x9a: {  	s4 =	simm.s32 $_size__tile_overlayer_lowered;
	s5 =	simm.s32 $_tile_overlayer_lowered  }
0x9b: {  	s6 =	simm.s32 $0x1BFF;
	s21 =	sshll.u32 s5, $0x1;
	s3 =	sadd.s32 s20, s19  }
0x9c: {  	s22 =	simm.s32 $0x0;
	s4 =	sshll.u32 s4, $0x1;
	s5 =	sadd.s32 s21, s3  }
0x9d: {  	[timem:s22], [sflag:s6] =	dma.local [hbm:s5], s4  }
0x9e: {  	_ =	swait.ge [sflag:s6], s4  }
0x9f: {  	s4 =	ssub.s32 $0x0, s4;
	[sflag:s6] =	ssyncset.done $0x0  }
0xa0: {  	[sflag:s6] =	ssyncadd.s32 s4;
	_ =	sdelay $0x1  }
0xa1: {  	s23 =	simm.s32 $0x1B8B  }
0xa2: {  	_ =	swait.ge [sflag:s23], $0x1  }
0xa3: {  	[sflag:s23] =	ssyncset.done $0x0  }
0xa4: {  	[sflag:s23] =	ssyncadd.s32 $0xFFFFFFFF  }
0xa5: {  	s4 =	sld [smem:$0x0]  }
0xa6: {  	s5 =	sand.u32 $0xFFFFFFFE, s1  }
0xa7: {  	p0 =	sne.s32 s1, s5  }
0xa8: {  	s5 =	sshll.u32 @p0 s5, $0xE  }
0xa9: {  	s5 =	sadd.s32 @p0 $0x11B8D, s5;
	s6 =	sshll.u32 @p0 s4, $0x11  }
0xaa: {  	s5 =	sor.u32 @p0 s6, s5  }
0xab: {  	[sflag:s5] =	ssyncadd.remote.s32 @p0 $0x1;
	_ =	sdelay $0x1  }
0xac: {  	s5 =	simm.s32 @p0 $0x1B8D  }
0xad: {  	_ =	swait.eq @p0 [sflag:s5], $0x1  }
0xae: {  	[sflag:s5] =	ssyncadd.s32 @p0 $0xFFFFFFFF  }
0xaf: {  	s6 =	sshll.u32 @!p0 s1, $0xE  }
0xb0: {  	s6 =	sor.u32 @!p0 $0x4000, s6;
	s5 =	simm.s32 @!p0 $0x1B8D  }
0xb1: {  	s4 =	sshll.u32 @!p0 s4, $0x11;
	s6 =	sadd.s32 @!p0 $0x11B8D, s6;
	_ =	swait.eq @!p0 [sflag:s5], $0x1  }
0xb2: {  	s4 =	sor.u32 @!p0 s4, s6;
	[sflag:s5] =	ssyncadd.s32 @!p0 $0xFFFFFFFF  }
0xb3: {  	s25 =	simm.s32 $0x1B8E;
	s24 =	sld [smem:$0x3FFE];
	[sflag:s4] =	ssyncadd.remote.s32 @!p0 $0x1  }
0xb4: {  	s26 =	simm.s32 $execute0_lowered;
	[smem:$0x3FD2] =	sst s25  }
0xb5: {  	s5 =	sshll.u32 s26, $0x1;
	_ =	strace $0x8000004C;
	[dreg:$0x1] =	wrdreg $0xFFFFFFFF  }
0xb6: {  	s28 =	simm.s32 $_size_execute0_lowered;
	s3 =	sadd.s32 s3, s5;
	[dreg:$0x0] =	wrdreg $0x0  }
0xb7: {  	s5 =	sshll.u32 s28, $0x1;
	[dreg:$0x2] =	wrdreg s3  }
0xb8: {  	[dreg:$0x3] =	wrdreg s5  }
0xb9: {  	[dreg:$0x4] =	wrdreg $0xC0  }
0xba: {  	_ =	task [dreg:s22], $0x5FFFF  }
0xbb: {  	[dreg:$0x1] =	wrdreg $0xFFFFFFFF  }
0xbc: {  	[dreg:$0x0] =	wrdreg $0x60  }
0xbd: {  	[dreg:$0x2] =	wrdreg s24  }
0xbe: {  	[dreg:$0x3] =	wrdreg $0xA  }
0xbf: {  	_ =	task.clear_ibuf [dreg:s22], $0x4FFFF;
	_ =	strace $0x9000004C  }
0xc0: {  	s29 =	simm.s32 $0xA;
	_ =	strace $0x8000004E  }
0xc1: {  	_ =	swait.ge [sflag:s29], $0x1  }
0xc2: {  	[sflag:s29] =	ssyncadd.s32 $0xFFFFFFFF  }
0xc3: {  	_ =	strace $0x9000004E  }
0xc4: {  	_ =	sfence  }
0xc5: {  	s30 =	sld [smem:$0x0];
	_ =	sdelay $0x2  }
0xc6: {  	s31 =	sshll.u32 s1, $0xD;
	s1 =	sshrl.u32 s1, $0x2  }
0xc7: {  	s4 =	sand.u32 $0x4000, s31;
	s1 =	sadd.s32 s1, s30  }
0xc8: {  	s0 =	sor.u32 s4, s0;
	s1 =	sshll.u32 s1, $0x11  }
0xc9: {  	s0 =	sor.u32 s1, s0  }
0xca: {  	s0 =	sadd.s32 $0x8F2B, s0  }
0xcb: {  	[sflag:s0] =	ssyncadd.remote.s32 $0x1  }
0xcc: {  	_ =	sfence.sel $0xFFFF  }
0xcd: {  	[dreg:$0x0] =	wrdreg $0xFFFFFFFF;
	(pc) =	sbr.abs _section_cstart, $3  }
0xce: {  	[dreg:$0x1] =	wrdreg $0xFFFFFFFF  }
0xcf: {  	_ =	task.clear_ibuf [dreg:s22], $0x2FFFF;
	_ =	strace $0x9FFFFFFF  }
0xd0: {  	(tm) =	ssettm $0x7FFFFFFF  }
0xd1: {  	_ =	shalt  }
tec
execute0_lowered:
.L_overlay_start_1:
0x0: {  	(tag) =	ssettag $0x1  }
0x1: {  	s0 =	rddreg [dreg:$0x0];
	s1 =	srdreg.scid  }
0x2: {  	s2 =	simm.s32 $0x0;
	s10 =	stileid.u32;
	s16 =	simm.s32 $0x1  }
0x3: {  	s21 =	simm.s32 $0x9E80;
	s22 =	simm.s32 $0xC600;
	s23 =	simm.s32 $0xED80  }
0x4: {  	s24 =	simm.s32 $0x11500;
	s25 =	simm.s32 $0x13C80;
	s1 =	sand.u32 $0x1, s1  }
0x5: {  	s3 =	sshll.u32 s1, $0x4;
	s30 =	ssub.s32 $0x2, s1;
	s1 =	smul.u32 $0xFFFFEC70, s1  }
0x6: {  	s26 =	simm.s32 $0x0;
	s8 =	sor.u32 s10, s3;
	s10 =	smul.u32 $0xFFFFFEC7, s10  }
0x7: {  	[smem:$0x7FF] =	sst s2;
	s4 =	sadd.s32 $0x6600, s0;
	s6 =	smul.u32 $0x272, s8  }
0x8: {  	s5 =	sadd.s32 $0x6000, s0;
	_ =	strace $0x8000004D;
	s7 =	smul.u32 $0x4E2, s8  }
0x9: {  	s3 =	sadd.s32 $0x6C00, s0;
	s31 =	sshrl.u32 s30, $0x1;
	s8 =	smul.u32 $0x139, s8  }
.Ltmp0:
0xa: {  	s15 =	ssub.s32 s30, s31;
	s1 =	sadd.s32 s1, s10;
	(pc) =	sbr.rel .LBB2_1-.Ltmp0, $4  }
0xb: {  	s15 =	smax.u32 s15, $0x1;
	s9 =	sadd.s32 s6, s0;
	s0 =	sadd.s32 s7, s0  }
0xc: {  	s1 =	sadd.s32 $0x2710, s1;
	s6 =	sadd.s32 $0xC400, s9;
	s7 =	sadd.s32 $0x7400, s9  }
0xd: {  	v0 =	vimm.s32 $0x0;
	s9 =	sadd.s32 $0x11A00, s0;
	s10 =	sadd.s32 $0x41400, s0;
	s11 =	sadd.s32 $0x1B800, s0  }
0xe: {  	v1 =	vimm.s32 $0x2710;
	v2 =	vimm.f32 $0.0e+00;
	v3 =	vlaneseq.u32;
	s12 =	sadd.s32 $0x2D800, s0;
	s13 =	sadd.s32 $0x37600, s0;
	s14 =	smin.u32 s1, $0x139  }
.LBB2_11:
0xf: {  	[hbm4b:s9+s2] =	stream.linear.scatter [tilespmem:s21], [sflag:$0x1], $0x2710, $0x38;
	[tilespmem:$0x16400] =	vst v63  }
0x10: {  	_ =	swait.ge [sflag:s16], $0x2710  }
0x11: {  	[sflag:s16] =	ssyncset.done $0x0  }
0x12: {  	[sflag:s16] =	ssyncadd.s32 $0xFFFFD8F0  }
0x13: {  	[hbm4b:s10+s2] =	stream.linear.scatter [tilespmem:s22], [sflag:$0x1], $0x2710, $0x38;
	[tilespmem:$0x16400] =	vst v63  }
0x14: {  	_ =	swait.ge [sflag:s16], $0x2710  }
0x15: {  	[sflag:s16] =	ssyncset.done $0x0  }
0x16: {  	[sflag:s16] =	ssyncadd.s32 $0xFFFFD8F0  }
0x17: {  	[hbm4b:s11+s2] =	stream.linear.scatter [tilespmem:s23], [sflag:$0x1], $0x2710, $0x38;
	[tilespmem:$0x16400] =	vst v63  }
0x18: {  	_ =	swait.ge [sflag:s16], $0x2710  }
0x19: {  	[sflag:s16] =	ssyncset.done $0x0  }
0x1a: {  	[sflag:s16] =	ssyncadd.s32 $0xFFFFD8F0  }
0x1b: {  	[hbm4b:s12+s2] =	stream.linear.scatter [tilespmem:s24], [sflag:$0x1], $0x2710, $0x38;
	[tilespmem:$0x16400] =	vst v63  }
0x1c: {  	s26 =	sadd.s32 $0x1, s26;
	_ =	swait.ge [sflag:s16], $0x2710  }
0x1d: {  	p0 =	sne.s32 s26, s15;
	[sflag:s16] =	ssyncset.done $0x0  }
.Ltmp1:
0x1e: {  	[sflag:s16] =	ssyncadd.s32 $0xFFFFD8F0;
	(pc) =	sbr.rel @!p0 .LBB2_12-.Ltmp1, $4  }
0x1f: {  	[hbm4b:s13+s2] =	stream.linear.scatter [tilespmem:s25], [sflag:$0x1], $0x2710, $0x38;
	[tilespmem:$0x16400] =	vst v63  }
0x20: {  	_ =	swait.ge [sflag:s16], $0x2710  }
0x21: {  	[sflag:s16] =	ssyncset.done $0x0  }
0x22: {  	[sflag:s16] =	ssyncadd.s32 $0xFFFFD8F0  }
.LBB2_1:
0x23: {  	[tilespmem:s2], [sflag:$0x1] =	stream.linear.gather [hbm4b:s3+s2], $0x2780, $0x38;
	[tilespmem:$0x16400] =	vst v63  }
0x24: {  	_ =	swait.ge [sflag:s16], $0x2780  }
0x25: {  	[sflag:s16] =	ssyncset.done $0x0  }
0x26: {  	s0 =	simm.s32 $0x2780;
	[sflag:s16] =	ssyncadd.s32 $0xFFFFD880  }
0x27: {  	[tilespmem:s0], [sflag:$0x1] =	stream.linear.gather [hbm4b:s4+s2], $0x2780, $0x38;
	[tilespmem:$0x16400] =	vst v63  }
0x28: {  	_ =	swait.ge [sflag:s16], $0x2780  }
0x29: {  	[sflag:s16] =	ssyncset.done $0x0  }
0x2a: {  	s29 =	simm.s32 $0x4F00;
	[sflag:s16] =	ssyncadd.s32 $0xFFFFD880  }
0x2b: {  	[tilespmem:s29], [sflag:$0x1] =	stream.linear.gather [hbm4b:s5+s2], $0x2780, $0x38;
	[tilespmem:$0x16400] =	vst v63  }
0x2c: {  	_ =	swait.ge [sflag:s16], $0x2780  }
0x2d: {  	[sflag:s16] =	ssyncset.done $0x0  }
0x2e: {  	s30 =	simm.s32 $0x7680;
	[sflag:s16] =	ssyncadd.s32 $0xFFFFD880  }
0x2f: {  	[tilespmem:s30], [sflag:$0x1] =	stream.linear.gather [hbm4b:s6+s2], $0x1390, $0x38;
	[tilespmem:$0x16400] =	vst v63  }
0x30: {  	_ =	swait.ge [sflag:s16], $0x1390  }
0x31: {  	[sflag:s16] =	ssyncset.done $0x0  }
0x32: {  	s31 =	simm.s32 $0x8A80;
	[sflag:s16] =	ssyncadd.s32 $0xFFFFEC70  }
0x33: {  	[tilespmem:s31], [sflag:$0x1] =	stream.linear.gather [hbm4b:s7+s2], $0x1390, $0x38;
	[tilespmem:$0x16400] =	vst v63  }
0x34: {  	_ =	swait.ge [sflag:s16], $0x1390  }
0x35: {  	[sflag:s16] =	ssyncset.done $0x0  }
0x36: {  	s1 =	simm.s32 $0x40;
	s0 =	simm.s32 $0x0;
	[sflag:s16] =	ssyncadd.s32 $0xFFFFEC70  }
.LBB2_2:
0x37: {  	p0 =	sne.s32 s1, $0x9C40;
	[tilespmem:s0+$0x13C80] =	vst v2;
	s17 =	smov.u32 s1;
	s1 =	sadd.s32 $0x40, s1  }
.Ltmp2:
0x38: {  	[tilespmem:s0+$0x11500] =	vst v2;
	(pc) =	sbr.rel @p0 .LBB2_2-.Ltmp2, $4  }
0x39: {  	[tilespmem:s0+$0xED80] =	vst v2  }
0x3a: {  	[tilespmem:s0+$0x9E80] =	vst v0  }
0x3b: {  	[tilespmem:s0+$0xC600] =	vst v1  }
0x3c: {  	s0 =	sshra.s32 s17, $0x2  }
.Ltmp3:
0x3d: {  	[tilespmem:s0+$0x13C80] =	vst v2;
	(pc) =	sbr.rel .LBB2_4-.Ltmp3, $4  }
0x3e: {  	[tilespmem:s0+$0x11500] =	vst v2  }
0x3f: {  	[tilespmem:s0+$0xED80] =	vst v2  }
0x40: {  	[tilespmem:s0+$0x9E80] =	vst v0  }
0x41: {  	[tilespmem:s0+$0xC600] =	vst v1;
	s28 =	simm.s32 $0x0;
	s29 =	simm.s32 $0x0  }
.LBB2_6:
0x42: {  	_ = 	snop  }
.LBB2_9:
0x43: {  	vm0 =	vmand vm1, vm0  }
0x44: {  	v5 =	vmpcnt.ones.xlane vm0;
	_ =	sdelay $0x1  }
0x45: {  	(v2sf) =	vpush v5, $0x0;
	_ =	sdelay $0x8  }
0x46: {  	p1 =	por !p2, !p0  }
0x47: {  	s17 =	simm.s32 @p1 $0x2710  }
0x48: {  	s28 =	smov.u32 @p0 s17  }
0x49: {  	[tilespmem:s28+$0x9E80] =	vst.msk vm0, v11  }
0x4a: {  	[tilespmem:s28+$0xC600] =	vst.msk vm0, v4  }
0x4b: {  	[tilespmem:s28+$0xED80] =	vst.msk vm0, v10  }
0x4c: {  	[tilespmem:s28+$0x11500] =	vst.msk vm0, v8;
	s0 =	spop (v2sf)  }
0x4d: {  	[tilespmem:s28+$0x13C80] =	vst.msk vm0, v9;
	s28 =	sadd.s32 s28, s0  }
0x4e: {  	p0 =	slt.s32 s28, $0x2710  }
0x4f: {  	s28 =	simm.s32 @!p0 $0x2710  }
.LBB2_10:
0x50: {  	s29 =	sadd.s32 $0x1, s29  }
0x51: {  	p0 =	sne.s32 s29, s14  }
.Ltmp4:
0x52: {  	_ = 	snop;
	(pc) =	sbr.rel @!p0 .LBB2_11-.Ltmp4, $1  }
0x53: {  	_ =	sdelay $0x3  }
.LBB2_4:
0x54: {  	s0 =	sshll.u32 s29, $0x4  }
0x55: {  	v4 =	vld [tilespmem:s0+$0x7680]  }
0x56: {  	v5 =	vld [tilespmem:s0+$0x8A80];
	_ =	sdelay $0x3  }
0x57: {  	(v2sf) =	vpush v4, $0x0  }
0x58: {  	(v2sf) =	vpush v5, $0x0;
	_ =	sdelay $0xd  }
0x59: {  	s31 =	spop (v2sf)  }
0x5a: {  	s1 =	sshra.s32 s31, $0x1F;
	s17 =	spop (v2sf);
	s18 =	sand.u32 $0xF, s31  }
0x5b: {  	p0 =	slt.s32 s31, $0x1;
	s1 =	sshrl.u32 s1, $0x1C;
	s17 =	sadd.s32 $0xF, s17  }
0x5c: {  	p1 =	sne.s32 s18, $0x0;
	s18 =	simm.s32 $0x1;
	s1 =	sadd.s32 s1, s31  }
0x5d: {  	s19 =	sand.u32 $0xF, s17;
	p0 =	por !p0, !p1;
	p6 =	slt.s32 s17, $0x1  }
0x5e: {  	s31 =	sshra.s32 s17, $0x1F;
	p2 =	sne.s32 s19, $0x0;
	s20 =	sshra.s32 s1, $0x4  }
0x5f: {  	p0 =	por !p0, !p0;
	s1 =	sshrl.u32 s31, $0x1C;
	p1 =	por !p6, !p2  }
0x60: {  	s1 =	sadd.s32 s1, s17;
	s17 =	simm.s32 $0x1;
	p1 =	por !p1, !p1  }
0x61: {  	s18 =	simm.s32 @!p0 $0x0;
	s1 =	sshra.s32 s1, $0x4;
	s17 =	simm.s32 @!p1 $0x0  }
0x62: {  	s0 =	ssub.s32 s20, s18;
	s30 =	ssub.s32 s1, s17  }
0x63: {  	p0 =	sge.s32 s0, s30  }
.Ltmp5:
0x64: {  	_ = 	snop;
	(pc) =	sbr.rel @p0 .LBB2_10-.Ltmp5, $1  }
0x65: {  	_ =	sdelay $0x3  }
0x66: {  	s31 =	sadd.s32 s8, s29  }
0x67: {  	s1 =	sand.u32 $0x7FFFFFF0, s31  }
0x68: {  	v4 =	vld [tilespmem:s1+$0x4F00]  }
0x69: {  	s17 =	sand.u32 $0xF, s31;
	v5 =	vld [tilespmem:s1+$0x2780]  }
0x6a: {  	v6 =	vmov s17;
	v7 =	vld [tilespmem:s1+$0x0]  }
0x6b: {  	vm0 =	veq.s32 v6, v3  }
0x6c: {  	v6 =	vsel vm0, $0x3F800000, v0  }
0x6d: {  	v4 =	vmul.f32 v6, v4  }
0x6e: {  	v5 =	vmul.f32 v6, v5  }
0x6f: {  	(xrf2) =	vadd.scan.msk.f32 $0xffff, v4;
	v4 =	vmul.f32 v6, v7  }
0x70: {  	(xrf2) =	vadd.scan.msk.f32 $0xffff, v5  }
0x71: {  	(xrf2) =	vadd.scan.msk.f32 $0xffff, v4;
	_ =	sdelay $0x3  }
0x72: {  	s20 =	sshll.u32 s0, $0x6  }
0x73: {  	s17 =	sshra.s32 s20, $0x2  }
0x74: {  	s1 =	sadd.s32 $0x2780, s17  }
0x75: {  	v8 =	vld [tilespmem:s1+$0x0]  }
0x76: {  	v4 =	vld [tilespmem:s17+$0x0];
	v7, _, _ =	vpop (xrf2)  }
0x77: {  	s18 =	sadd.s32 $0x4F00, s17;
	v6, _, _ =	vpop (xrf2)  }
0x78: {  	v9 =	vld [tilespmem:s18+$0x0];
	v5, _, _ =	vpop (xrf2)  }
0x79: {  	v6 =	vbroadcast v6, $0xF;
	v5 =	vbroadcast v5, $0xF;
	_ =	sdelay $0x1  }
0x7a: {  	v7 =	vbroadcast v7, $0xF;
	v8 =	vsub.f32 v8, v6;
	v10 =	vsub.f32 v4, v5;
	_ =	sdelay $0x1  }
0x7b: {  	s20 =	sadd.s32 $0x1, s0;
	v9 =	vsub.f32 v9, v7;
	v11 =	vmul.f32 v8, v8;
	v4 =	vmul.f32 v10, v10  }
0x7c: {  	p1 =	slt.s32 s20, s30  }
.Ltmp6:
0x7d: {  	v4 =	vadd.f32 v11, v4;
	v11 =	vmul.f32 v9, v9;
	(pc) =	sbr.rel @!p1 .LBB2_6-.Ltmp6, $4  }
0x7e: {  	_ = 	snop  }
0x7f: {  	s19 =	sshll.u32 s0, $0x4;
	v12 =	vadd.f32 v11, v4  }
0x80: {  	v4 =	vmov s31;
	v11 =	vor.u32 s19, v3  }
0x81: {  	p0 =	por $0x0, $0x0;
	vm1 =	vne.s32 v11, v4;
	vm0 =	vlt.f32 v12, $6.399999840e-03  }
0x82: {  	vm0 =	vmand vm1, vm0  }
0x83: {  	[tilespmem:s28+$0x9E80] =	vst.msk vm0, v11;
	v11 =	vmpcnt.ones.xlane vm0  }
0x84: {  	[tilespmem:s28+$0xC600] =	vst.msk vm0, v4  }
0x85: {  	[tilespmem:s28+$0xED80] =	vst.msk vm0, v10;
	(v2sf) =	vpush v11, $0x0  }
0x86: {  	[tilespmem:s28+$0x11500] =	vst.msk vm0, v8  }
0x87: {  	s31 =	sadd.s32 $0x10, s17;
	[tilespmem:s28+$0x13C80] =	vst.msk vm0, v9  }
0x88: {  	s0 =	sadd.s32 $0x10, s1;
	v8 =	vld [tilespmem:s31+$0x0]  }
0x89: {  	v9 =	vld [tilespmem:s0+$0x0]  }
0x8a: {  	s1 =	sadd.s32 $0x10, s18  }
0x8b: {  	v11 =	vld [tilespmem:s1+$0x0];
	_ =	sdelay $0x2  }
0x8c: {  	v10 =	vsub.f32 v8, v5;
	v8 =	vsub.f32 v9, v6;
	_ =	sdelay $0x1  }
0x8d: {  	s18 =	sadd.s32 $0x1, s20;
	v9 =	vsub.f32 v11, v7;
	v11 =	vmul.f32 v10, v10;
	v12 =	vmul.f32 v8, v8  }
0x8e: {  	p1 =	slt.s32 s18, s30  }
.Ltmp7:
0x8f: {  	v63 =	vmul.f32 v9, v9;
	v11 =	vadd.f32 v12, v11;
	(pc) =	sbr.rel @!p1 .LBB2_9-.Ltmp7, $4  }
0x90: {  	_ = 	snop  }
0x91: {  	s19 =	sadd.s32 $0x10, s19;
	v12 =	vadd.f32 v63, v11;
	s20 =	spop (v2sf)  }
0x92: {  	v11 =	vor.u32 s19, v3;
	s17 =	sadd.s32 s28, s20  }
0x93: {  	p0 =	por $0x1, $0x1;
	vm1 =	vne.s32 v11, v4;
	vm0 =	vlt.f32 v12, $6.399999840e-03;
	p2 =	slt.s32 s17, $0x2710  }
.LBB2_8:
0x94: {  	s18 =	sadd.s32 $0x1, s18;
	vm0 =	vmand vm1, vm0;
	s17 =	simm.s32 @!p2 $0x2710  }
0x95: {  	p1 =	slt.s32 s18, s30;
	[tilespmem:s17+$0x9E80] =	vst.msk vm0, v11;
	v11 =	vmpcnt.ones.xlane vm0  }
0x96: {  	[tilespmem:s17+$0xC600] =	vst.msk vm0, v4  }
0x97: {  	[tilespmem:s17+$0xED80] =	vst.msk vm0, v10;
	(v2sf) =	vpush v11, $0x0  }
0x98: {  	[tilespmem:s17+$0x11500] =	vst.msk vm0, v8  }
0x99: {  	s31 =	sadd.s32 $0x10, s31;
	[tilespmem:s17+$0x13C80] =	vst.msk vm0, v9  }
0x9a: {  	s0 =	sadd.s32 $0x10, s0;
	v8 =	vld [tilespmem:s31+$0x0]  }
0x9b: {  	v9 =	vld [tilespmem:s0+$0x0]  }
0x9c: {  	s1 =	sadd.s32 $0x10, s1  }
0x9d: {  	v11 =	vld [tilespmem:s1+$0x0];
	_ =	sdelay $0x1  }
0x9e: {  	v10 =	vsub.f32 v8, v5  }
0x9f: {  	v8 =	vsub.f32 v9, v6;
	_ =	sdelay $0x1  }
0xa0: {  	v9 =	vsub.f32 v11, v7;
	v11 =	vmul.f32 v10, v10;
	v12 =	vmul.f32 v8, v8;
	_ =	sdelay $0x1  }
.Ltmp8:
0xa1: {  	v11 =	vadd.f32 v12, v11;
	v12 =	vmul.f32 v9, v9;
	(pc) =	sbr.rel @p1 .LBB2_8-.Ltmp8, $4  }
0xa2: {  	_ = 	snop  }
0xa3: {  	s19 =	sadd.s32 $0x10, s19;
	v12 =	vadd.f32 v12, v11;
	s20 =	spop (v2sf)  }
0xa4: {  	v11 =	vor.u32 s19, v3;
	s17 =	sadd.s32 s17, s20  }
0xa5: {  	vm1 =	vne.s32 v11, v4;
	vm0 =	vlt.f32 v12, $6.399999840e-03;
	p2 =	slt.s32 s17, $0x2710  }
.Ltmp9:
0xa6: {  	_ = 	snop;
	(pc) =	sbr.rel .LBB2_9-.Ltmp9, $1  }
0xa7: {  	_ =	sdelay $0x3  }
.LBB2_12:
0xa8: {  	_ =	sfence.sel $0x180000  }
0xa9: {  	[bflag:$0x0] =	sbarrier.arrive $0xFFFF  }
0xaa: {  	_ =	strace $0x9000004D  }
0xab: {  	s0 =	stileid.u32;
	[bflag:$0x2] =	sbarrier.arrive $0xFFFF  }
0xac: {  	p0 =	sne.s32 s0, $0x0;
	s0 =	rddreg [dreg:$0x1]  }
0xad: {  	s0 =	sadd.s32 @!p0 $0x100000, s0  }
0xae: {  	[sflag:s0] =	ssyncadd.tile.s32 @!p0 $0x1;
	_ =	shalt  }
.Lfunc_end2:
_tile_overlayer_lowered:
.L_overlay_start_2:
0xaf: {  	(tag) =	ssettag $0x2  }
0xb0: {  	s0 =	rddreg [dreg:$0x0];
	s2 =	stileid.u32  }
0xb1: {  	s1 =	rddreg [dreg:$0x1];
	p0 =	sne.s32 s2, $0x0  }
0xb2: {  	s3 =	rddreg [dreg:$0x2];
	[bflag:$0x3] =	sbarrier.arrive $0xFFFF;
	s2 =	simm.s32 @!p0 $0x1C01  }
0xb3: {  	[timem:s3], [sflag:s2] =	dma.local @!p0 [hbm:s0], s1  }
0xb4: {  	s0 =	simm.s32 @!p0 $0x1  }
0xb5: {  	_ =	swait.ge @!p0 [sflag:s0], s1  }
0xb6: {  	s1 =	ssub.s32 @!p0 $0x0, s1;
	[sflag:s0] =	ssyncset.done @!p0 $0x0  }
0xb7: {  	[sflag:s0] =	ssyncadd.s32 @!p0 s1  }
0xb8: {  	[bflag:$0x3] =	sbarrier.arrive $0xFFFF  }
0xb9: {  	_ =	shalt  }

</sc_bundles>
